<compile_context>
chip_gen: v7x
topology: tpu7x:2x2x1
jax: 0.10.2.dev20260603
libtpu: 0.0.44.dev20260713+nightly
codegen_flags: <defaults>
</compile_context>

<pallas_src>
import functools
import numpy as np
import jax
import jax.numpy as jnp
from jax import lax
from jax.experimental import pallas as pl
from jax.experimental.pallas import tpu as pltpu
from jax.experimental.pallas import tpu_sc as plsc

HIDDEN = 128
NDIM = 3
K = 16
SB = 256
CHUNK = 2048
BIGF = 1e30
PADC = 100.0

SC_NC = 2
SC_NS = 16
SC_NW = SC_NC * SC_NS


def _sc_gather(table, idx):
    B = idx.shape[0]
    b_per_w = B // SC_NW
    mesh = plsc.VectorSubcoreMesh(
        core_axis_name="c", subcore_axis_name="s",
        num_cores=SC_NC, num_subcores=SC_NS)

    @functools.partial(
        pl.kernel, mesh=mesh,
        out_type=jax.ShapeDtypeStruct((B, 16), jnp.float32),
        scratch_types=[
            pltpu.VMEM((b_per_w,), jnp.int32),
            pltpu.VMEM((b_per_w, 16), jnp.float32),
            pltpu.SemaphoreType.DMA,
        ],
        compiler_params=pltpu.CompilerParams(use_tc_tiling_on_sc=False),
    )
    def gk(table_hbm, idx_hbm, out_hbm, idx_v, rows_v, sem):
        wid = lax.axis_index("s") * SC_NC + lax.axis_index("c")
        base = wid * b_per_w
        pltpu.sync_copy(idx_hbm.at[pl.ds(base, b_per_w)], idx_v)
        pltpu.async_copy(table_hbm.at[idx_v], rows_v, sem).wait()
        pltpu.sync_copy(rows_v, out_hbm.at[pl.ds(base, b_per_w)])

    return gk(table, idx)


def _knn_body(sup_ref, posT_ref, out_ref, vals_ref, idxs_ref, e_ref):
    j = pl.program_id(1)
    nj = pl.num_programs(1)

    @pl.when(j == 0)
    def _init():
        vals_ref[...] = jnp.full((SB, K), BIGF, jnp.float32)
        idxs_ref[...] = jnp.zeros((SB, K), jnp.int32)

    sup = sup_ref[...]
    pts = posT_ref[...]
    pn = jnp.sum(pts * pts, axis=0, keepdims=True)
    sp = jnp.dot(sup, pts, preferred_element_type=jnp.float32)
    e = pn - 2.0 * sp
    e_ref[...] = e

    base = j * CHUNK
    lane = lax.broadcasted_iota(jnp.int32, (SB, CHUNK), 1)
    col = lax.broadcasted_iota(jnp.int32, (SB, K), 1)

    rmax0 = jnp.max(vals_ref[...], axis=1, keepdims=True)
    cnt = jnp.sum((e < rmax0).astype(jnp.int32), axis=1, keepdims=True)
    niter = jnp.max(jnp.minimum(cnt, jnp.int32(K)))

    def _extract(_, carry):
        vals, idxs = carry
        ec = e_ref[...]
        cmin = jnp.min(ec, axis=1, keepdims=True)
        cidx = jnp.min(jnp.where(ec == cmin, lane, jnp.int32(CHUNK)),
                       axis=1, keepdims=True)
        rmax = jnp.max(vals, axis=1, keepdims=True)
        rpos = jnp.min(jnp.where(vals == rmax, col, jnp.int32(K)),
                       axis=1, keepdims=True)
        better = cmin < rmax
        rep = better & (col == rpos)
        vals = jnp.where(rep, cmin, vals)
        idxs = jnp.where(rep, base + cidx, idxs)
        e_ref[...] = jnp.where(lane == cidx, BIGF, ec)
        return vals, idxs

    vals, idxs = lax.fori_loop(0, niter, _extract,
                               (vals_ref[...], idxs_ref[...]))
    vals_ref[...] = vals
    idxs_ref[...] = idxs

    @pl.when(j == nj - 1)
    def _fin():
        out_ref[...] = idxs_ref[...]


def _knn_call(sup8, posT8, n_blocks, n_chunks, interpret=False):
    return pl.pallas_call(
        _knn_body,
        grid=(n_blocks, n_chunks),
        in_specs=[
            pl.BlockSpec((SB, 8), lambda i, j: (i, 0)),
            pl.BlockSpec((8, CHUNK), lambda i, j: (0, j)),
        ],
        out_specs=pl.BlockSpec((SB, K), lambda i, j: (i, 0)),
        out_shape=jax.ShapeDtypeStruct((n_blocks * SB, K), jnp.int32),
        scratch_shapes=[
            pltpu.VMEM((SB, K), jnp.float32),
            pltpu.VMEM((SB, K), jnp.int32),
            pltpu.VMEM((SB, CHUNK), jnp.float32),
        ],
        compiler_params=pltpu.CompilerParams(
            dimension_semantics=("parallel", "arbitrary")),
        interpret=interpret,
    )(sup8, posT8)


_LOG2_1E4 = float(np.log2(10000.0))
_HALF_PI = float(np.pi / 2)


def _embed_consts_msg():
    half = 16
    q = lax.broadcasted_iota(jnp.int32, (1, HIDDEN), 1)
    coord = q // 32
    f = (q % 32) % half
    is_cos = (q % 32) >= half
    omega = jnp.exp2(f.astype(jnp.float32) * (-_LOG2_1E4 / half))
    shift = jnp.where(is_cos, _HALF_PI, 0.0)
    return coord, omega, shift


def _embed_consts_sup():
    half = 21
    q = lax.broadcasted_iota(jnp.int32, (1, HIDDEN), 1)
    coord = jnp.minimum(q // 42, 2)
    f = (q % 42) % half
    is_cos = (q % 42) >= half
    omega = jnp.where(q < 126,
                      jnp.exp2(f.astype(jnp.float32) * (-_LOG2_1E4 / half)),
                      0.0)
    shift = jnp.where(is_cos, _HALF_PI, 0.0)
    valid = (q < 126).astype(jnp.float32)
    return coord, omega, shift, valid


def _sincos_select(cols, coord_sel, omega, shift, valid=None):
    M = cols[0].shape[0]
    big = cols[0] * 0.0
    c = jnp.broadcast_to(coord_sel, (M, HIDDEN))
    big = jnp.where(c == 0, cols[0], jnp.where(c == 1, cols[1], cols[2]))
    if len(cols) > 3:
        big = jnp.where(c == 3, cols[3], big)
    emb = jnp.sin(big * omega + shift)
    if valid is not None:
        emb = emb * valid
    return emb


def _msg_body(src_ref, sup_ref, W1_ref, b1_ref, W2_ref, b2_ref,
              Wp_ref, bp_ref, out_ref):
    SBK = SB * K
    src = src_ref[...]
    sup = sup_ref[...]

    r0 = lax.broadcasted_iota(jnp.int32, (SBK, SB), 0) // K
    r1 = lax.broadcasted_iota(jnp.int32, (SBK, SB), 1)
    R = (r0 == r1).astype(jnp.float32)
    dst = jnp.dot(R, sup, preferred_element_type=jnp.float32)

    diff = dst - src
    mag = jnp.sqrt(jnp.sum(diff * diff, axis=1, keepdims=True))

    mc, mo, ms = _embed_consts_msg()
    x = _sincos_select(
        [diff[:, 0:1], diff[:, 1:2], diff[:, 2:3], mag],
        mc, mo, ms)

    h = jnp.dot(x, W1_ref[...], preferred_element_type=jnp.float32) + b1_ref[...]
    h = 0.5 * h * (1.0 + lax.erf(h * np.float32(np.sqrt(0.5))))
    h = jnp.dot(h, W2_ref[...], preferred_element_type=jnp.float32) + b2_ref[...]

    mean = lax.dot_general(R, h, (((0,), (0,)), ((), ())),
                           preferred_element_type=jnp.float32) * (1.0 / K)

    sc_, so_, ss_, sv_ = _embed_consts_sup()
    semb = _sincos_select(
        [sup[:, 0:1], sup[:, 1:2], sup[:, 2:3]],
        sc_, so_, ss_, sv_)

    Wp = Wp_ref[...]
    out = (jnp.dot(mean, Wp[:HIDDEN, :], preferred_element_type=jnp.float32)
           + jnp.dot(semb, Wp[HIDDEN:, :], preferred_element_type=jnp.float32)
           + bp_ref[...])
    out_ref[...] = out


def _msg_call(src16, sup16, W1, b1, W2, b2, Wp, bp, n_blocks, interpret=False):
    full = lambda shape: pl.BlockSpec(shape, lambda i: tuple(0 for _ in shape))
    return pl.pallas_call(
        _msg_body,
        grid=(n_blocks,),
        in_specs=[
            pl.BlockSpec((SB * K, 16), lambda i: (i, 0)),
            pl.BlockSpec((SB, 16), lambda i: (i, 0)),
            full((HIDDEN, HIDDEN)),
            full((1, HIDDEN)),
            full((HIDDEN, HIDDEN)),
            full((1, HIDDEN)),
            full((2 * HIDDEN, HIDDEN)),
            full((1, HIDDEN)),
        ],
        out_specs=pl.BlockSpec((SB, HIDDEN), lambda i: (i, 0)),
        out_shape=jax.ShapeDtypeStruct((n_blocks * SB, HIDDEN), jnp.float32),
        compiler_params=pltpu.CompilerParams(
            dimension_semantics=("parallel",)),
        interpret=interpret,
    )(src16, sup16, W1, b1, W2, b2, Wp, bp)


def kernel(input_pos, supernode_idx, W1, b1, W2, b2, Wp, bp):
    pos = input_pos[..., :NDIM].astype(jnp.float32)
    N = pos.shape[0]
    S = supernode_idx.shape[0]
    n_blocks = S // SB
    n_chunks = -(-N // CHUNK)
    NPAD = n_chunks * CHUNK

    sidx = supernode_idx.astype(jnp.int32)

    pos16 = jnp.zeros((N, 16), jnp.float32).at[:, :NDIM].set(pos)
    posT8 = jnp.full((8, NPAD), 0.0, jnp.float32)
    posT8 = posT8.at[:NDIM, :N].set(pos.T)
    posT8 = posT8.at[:NDIM, N:].set(PADC)

    sup16 = _sc_gather(pos16, sidx)
    knn = _knn_call(sup16[:, :8], posT8, n_blocks, n_chunks)
    src16 = _sc_gather(pos16, knn.reshape(-1))
    out = _msg_call(src16, sup16, W1, b1.reshape(1, -1), W2,
                    b2.reshape(1, -1), Wp, bp.reshape(1, -1), n_blocks)
    return out.reshape(1, S, HIDDEN)

# --- scband reference (transcript-rebuilt; emitter-appended) ---
"""Pipeline reference for scband-supernode-pooling-posonly-72043781423642 (READ-ONLY COPY).

The authoritative reference and input builder live on the scoring server;
editing this copy changes nothing except your own understanding.
"""

import jax, jax.numpy as jnp
import numpy as np

HIDDEN_DIM = 128
NDIM = 3
K = 16
N_POINTS = 50000
N_SUPER = 1024


def _sincos_embed(coords, dim, ndim):
    # faithful ContinuousSincosEmbed: split dim across ndim coords, sincos per coord, zero-pad remainder
    ndim_padding = dim % ndim
    dim_per_ndim = (dim - ndim_padding) // ndim
    sincos_padding = dim_per_ndim % 2
    padding = ndim_padding + sincos_padding * ndim
    eff = (dim - padding) // ndim
    half = eff // 2
    omega = 1.0 / (10000.0 ** (np.arange(half, dtype=np.float32) / half))
    out = coords[..., None] * jnp.asarray(omega, dtype=coords.dtype)  # (N, ndim, half)
    emb = jnp.concatenate([jnp.sin(out), jnp.cos(out)], axis=-1)  # (N, ndim, eff)
    emb = emb.reshape(coords.shape[0], ndim * eff)
    if padding > 0:
        emb = jnp.concatenate([emb, jnp.zeros((emb.shape[0], padding), emb.dtype)], axis=1)
    return emb


def setup_inputs(seed: int = 0) -> dict:
    key = jax.random.key(seed)
    ks = jax.random.split(key, 8)
    input_pos = jax.random.uniform(ks[0], (N_POINTS, NDIM), dtype=jnp.float32)
    supernode_idx = jnp.sort(jax.random.randint(ks[1], (N_SUPER,), 0, N_POINTS, dtype=jnp.int64 if jax.config.jax_enable_x64 else jnp.int32))
    s1 = 1.0 / np.sqrt(HIDDEN_DIM)
    s2 = 1.0 / np.sqrt(2 * HIDDEN_DIM)
    W1 = jax.random.uniform(ks[2], (HIDDEN_DIM, HIDDEN_DIM), minval=-s1, maxval=s1, dtype=jnp.float32)
    b1 = jax.random.uniform(ks[3], (HIDDEN_DIM,), minval=-s1, maxval=s1, dtype=jnp.float32)
    W2 = jax.random.uniform(ks[4], (HIDDEN_DIM, HIDDEN_DIM), minval=-s1, maxval=s1, dtype=jnp.float32)
    b2 = jax.random.uniform(ks[5], (HIDDEN_DIM,), minval=-s1, maxval=s1, dtype=jnp.float32)
    Wp = jax.random.uniform(ks[6], (2 * HIDDEN_DIM, HIDDEN_DIM), minval=-s2, maxval=s2, dtype=jnp.float32)
    bp = jax.random.uniform(ks[7], (HIDDEN_DIM,), minval=-s2, maxval=s2, dtype=jnp.float32)
    return {"input_pos": input_pos, "supernode_idx": supernode_idx, "W1": W1, "b1": b1, "W2": W2, "b2": b2, "Wp": Wp, "bp": bp}


def reference(input_pos, supernode_idx, W1, b1, W2, b2, Wp, bp):
    pos = input_pos[..., :NDIM]
    S = supernode_idx.shape[0]
    # compute_src_and_dst_indices via kNN (torch_geometric.nn.pool.knn equivalent)
    sup_pos = pos[supernode_idx]  # (S, ndim)
    d2 = jnp.sum((sup_pos[:, None, :] - pos[None, :, :]) ** 2, axis=-1)  # (S, N)
    _, knn_idx = jax.lax.top_k(-d2, K)  # (S, K) nearest point indices per supernode
    src_idx = knn_idx.reshape(-1)  # (S*K,) consecutive per dst, matching torch knn ordering
    dst_idx = jnp.repeat(supernode_idx, K)  # (S*K,)
    # create_messages (relpos mode)
    src_pos = pos[src_idx]
    dst_pos = pos[dst_idx]
    dist = dst_pos - src_pos
    mag = jnp.linalg.norm(dist, axis=1, keepdims=True)
    x = _sincos_embed(jnp.concatenate([dist, mag], axis=1), HIDDEN_DIM, NDIM + 1)
    supernode_pos_embed = _sincos_embed(sup_pos, HIDDEN_DIM, NDIM)
    # message MLP: Linear -> GELU -> Linear
    x = jax.nn.gelu(x @ W1 + b1, approximate=False) @ W2 + b2
    # accumulate_messages: segment_csr mean, exactly K messages per supernode (consecutive)
    x = x.reshape(S, K, HIDDEN_DIM).mean(axis=1)
    # concat supernode pos embed + proj, reshape to (batch_size, S, dim)
    x = jnp.concatenate([x, supernode_pos_embed], axis=1) @ Wp + bp
    return x.reshape(1, S, HIDDEN_DIM)

if __name__ == "__main__":
    import jax
    _d = setup_inputs()
    print(jax.jit(kernel)(*tuple(_d.values())))

</pallas_src>

<mosaic_0001>
#map = affine_map<(d0, d1) -> (0, 0)>
#map1 = affine_map<(d0, d1) -> (0)>
module attributes {stable_mosaic.version = 14 : i64} {
  func.func @gk(%arg0: i32, %arg1: i32, %arg2: memref<50000x16xf32, #tpu.memory_space<hbm>>, %arg3: memref<1024xi32, #tpu.memory_space<hbm>>, %arg4: memref<1024x16xf32, #tpu.memory_space<hbm>>, %arg5: memref<32xi32, #tpu.memory_space<vmem>>, %arg6: memref<32x16xf32, #tpu.memory_space<vmem>>, %arg7: memref<!tpu.dma_semaphore, #tpu.memory_space<semaphore_mem>>) attributes {dimension_semantics = [#tpu.dimension_semantics<core_parallel>, #tpu.dimension_semantics<subcore_parallel>], iteration_bounds = array<i64: 2, 16>, scalar_prefetch = 0 : i64, scratch_operands = 3 : i64, tpu.core_type = #tpu.core_type<sc_vector_subcore>, window_params = [{transform_indices = #map}, {transform_indices = #map1}, {transform_indices = #map}]} {
    %mul3A = arith.constant 2 : i32
    %mul3A_0 = arith.muli %arg1, %mul3A : i32
    %add3A = arith.addi %mul3A_0, %arg0 : i32
    %mul3A_1 = arith.constant 32 : i32
    %mul3A_2 = arith.muli %add3A, %mul3A_1 : i32
    "tpu.region"() ({
      %run_scoped3A = tpu.sem_alloc : memref<!tpu.dma_semaphore, #tpu.memory_space<semaphore_mem>>
      %dma_start3A_7 = tpu.memref_slice %arg3[%mul3A_2] : memref<1024xi32, #tpu.memory_space<hbm>> -> memref<32xi32, #tpu.memory_space<hbm>>
      %dma_start3A_8 = tpu.memref_slice %arg3[%mul3A_2] : memref<1024xi32, #tpu.memory_space<hbm>> -> memref<32xi32, #tpu.memory_space<hbm>>
      tpu.enqueue_dma source(%dma_start3A_8 : memref<32xi32, #tpu.memory_space<hbm>>) target(%arg5 : memref<32xi32, #tpu.memory_space<vmem>>) target_semaphore(%run_scoped3A : memref<!tpu.dma_semaphore, #tpu.memory_space<semaphore_mem>>)
      %dma_wait3A_9 = tpu.memref_slice %arg3[%mul3A_2] : memref<1024xi32, #tpu.memory_space<hbm>> -> memref<32xi32, #tpu.memory_space<hbm>>
      %dma_wait3A_10 = tpu.memref_slice %arg3[%mul3A_2] : memref<1024xi32, #tpu.memory_space<hbm>> -> memref<32xi32, #tpu.memory_space<hbm>>
      tpu.wait_dma2 semaphore(%run_scoped3A : memref<!tpu.dma_semaphore, #tpu.memory_space<semaphore_mem>>) src(%dma_wait3A_10 : memref<32xi32, #tpu.memory_space<hbm>>) dst(%arg5 : memref<32xi32, #tpu.memory_space<vmem>>)
      tpu.yield
    }) : () -> ()
    %dma_start3A = arith.constant 0 : i32
    %dma_start3A_3 = arith.constant 0 : i32
    %dma_start3A_4 = tpu.memref_slice %arg2[%dma_start3A, %dma_start3A_3] : memref<50000x16xf32, #tpu.memory_space<hbm>> -> memref<50000x16xf32, #tpu.memory_space<hbm>>
    tpu.enqueue_indirect_dma source(%dma_start3A_4 : memref<50000x16xf32, #tpu.memory_space<hbm>>) target(%arg6 : memref<32x16xf32, #tpu.memory_space<vmem>>) offsets(%arg5 : memref<32xi32, #tpu.memory_space<vmem>>) semaphore(%arg7 : memref<!tpu.dma_semaphore, #tpu.memory_space<semaphore_mem>>)
    %dma_wait3A = arith.constant 0 : i32
    %dma_wait3A_5 = arith.constant 0 : i32
    %dma_wait3A_6 = tpu.memref_slice %arg2[%dma_wait3A, %dma_wait3A_5] : memref<50000x16xf32, #tpu.memory_space<hbm>> -> memref<50000x16xf32, #tpu.memory_space<hbm>>
    tpu.wait_indirect_dma semaphore(%arg7 : memref<!tpu.dma_semaphore, #tpu.memory_space<semaphore_mem>>) src(%dma_wait3A_6 : memref<50000x16xf32, #tpu.memory_space<hbm>>) dst(%arg6 : memref<32x16xf32, #tpu.memory_space<vmem>>)
    "tpu.region"() ({
      %run_scoped3A = tpu.sem_alloc : memref<!tpu.dma_semaphore, #tpu.memory_space<semaphore_mem>>
      %dma_start3A_7 = arith.constant 0 : i32
      %dma_start3A_8 = tpu.memref_slice %arg4[%mul3A_2, %dma_start3A_7] : memref<1024x16xf32, #tpu.memory_space<hbm>> -> memref<32x16xf32, #tpu.memory_space<hbm>>
      %dma_start3A_9 = arith.constant 0 : i32
      %dma_start3A_10 = tpu.memref_slice %arg4[%mul3A_2, %dma_start3A_9] : memref<1024x16xf32, #tpu.memory_space<hbm>> -> memref<32x16xf32, #tpu.memory_space<hbm>>
      tpu.enqueue_dma source(%arg6 : memref<32x16xf32, #tpu.memory_space<vmem>>) target(%dma_start3A_10 : memref<32x16xf32, #tpu.memory_space<hbm>>) target_semaphore(%run_scoped3A : memref<!tpu.dma_semaphore, #tpu.memory_space<semaphore_mem>>)
      %dma_wait3A_11 = arith.constant 0 : i32
      %dma_wait3A_12 = tpu.memref_slice %arg4[%mul3A_2, %dma_wait3A_11] : memref<1024x16xf32, #tpu.memory_space<hbm>> -> memref<32x16xf32, #tpu.memory_space<hbm>>
      %dma_wait3A_13 = arith.constant 0 : i32
      %dma_wait3A_14 = tpu.memref_slice %arg4[%mul3A_2, %dma_wait3A_13] : memref<1024x16xf32, #tpu.memory_space<hbm>> -> memref<32x16xf32, #tpu.memory_space<hbm>>
      tpu.wait_dma2 semaphore(%run_scoped3A : memref<!tpu.dma_semaphore, #tpu.memory_space<semaphore_mem>>) src(%arg6 : memref<32x16xf32, #tpu.memory_space<vmem>>) dst(%dma_wait3A_14 : memref<32x16xf32, #tpu.memory_space<hbm>>)
      tpu.yield
    }) : () -> ()
    return
  }
}

#map = affine_map<(d0, d1) -> (0, 0)>
#map1 = affine_map<(d0, d1) -> (0)>
module attributes {stable_mosaic.version = 14 : i64} {
  func.func @gk(%arg0: i32, %arg1: i32, %arg2: memref<50000x16xf32, #tpu.memory_space<hbm>>, %arg3: memref<16384xi32, #tpu.memory_space<hbm>>, %arg4: memref<16384x16xf32, #tpu.memory_space<hbm>>, %arg5: memref<512xi32, #tpu.memory_space<vmem>>, %arg6: memref<512x16xf32, #tpu.memory_space<vmem>>, %arg7: memref<!tpu.dma_semaphore, #tpu.memory_space<semaphore_mem>>) attributes {dimension_semantics = [#tpu.dimension_semantics<core_parallel>, #tpu.dimension_semantics<subcore_parallel>], iteration_bounds = array<i64: 2, 16>, scalar_prefetch = 0 : i64, scratch_operands = 3 : i64, tpu.core_type = #tpu.core_type<sc_vector_subcore>, window_params = [{transform_indices = #map}, {transform_indices = #map1}, {transform_indices = #map}]} {
    %mul3A = arith.constant 2 : i32
    %mul3A_0 = arith.muli %arg1, %mul3A : i32
    %add3A = arith.addi %mul3A_0, %arg0 : i32
    %mul3A_1 = arith.constant 512 : i32
    %mul3A_2 = arith.muli %add3A, %mul3A_1 : i32
    "tpu.region"() ({
      %run_scoped3A = tpu.sem_alloc : memref<!tpu.dma_semaphore, #tpu.memory_space<semaphore_mem>>
      %dma_start3A_7 = tpu.memref_slice %arg3[%mul3A_2] : memref<16384xi32, #tpu.memory_space<hbm>> -> memref<512xi32, #tpu.memory_space<hbm>>
      %dma_start3A_8 = tpu.memref_slice %arg3[%mul3A_2] : memref<16384xi32, #tpu.memory_space<hbm>> -> memref<512xi32, #tpu.memory_space<hbm>>
      tpu.enqueue_dma source(%dma_start3A_8 : memref<512xi32, #tpu.memory_space<hbm>>) target(%arg5 : memref<512xi32, #tpu.memory_space<vmem>>) target_semaphore(%run_scoped3A : memref<!tpu.dma_semaphore, #tpu.memory_space<semaphore_mem>>)
      %dma_wait3A_9 = tpu.memref_slice %arg3[%mul3A_2] : memref<16384xi32, #tpu.memory_space<hbm>> -> memref<512xi32, #tpu.memory_space<hbm>>
      %dma_wait3A_10 = tpu.memref_slice %arg3[%mul3A_2] : memref<16384xi32, #tpu.memory_space<hbm>> -> memref<512xi32, #tpu.memory_space<hbm>>
      tpu.wait_dma2 semaphore(%run_scoped3A : memref<!tpu.dma_semaphore, #tpu.memory_space<semaphore_mem>>) src(%dma_wait3A_10 : memref<512xi32, #tpu.memory_space<hbm>>) dst(%arg5 : memref<512xi32, #tpu.memory_space<vmem>>)
      tpu.yield
    }) : () -> ()
    %dma_start3A = arith.constant 0 : i32
    %dma_start3A_3 = arith.constant 0 : i32
    %dma_start3A_4 = tpu.memref_slice %arg2[%dma_start3A, %dma_start3A_3] : memref<50000x16xf32, #tpu.memory_space<hbm>> -> memref<50000x16xf32, #tpu.memory_space<hbm>>
    tpu.enqueue_indirect_dma source(%dma_start3A_4 : memref<50000x16xf32, #tpu.memory_space<hbm>>) target(%arg6 : memref<512x16xf32, #tpu.memory_space<vmem>>) offsets(%arg5 : memref<512xi32, #tpu.memory_space<vmem>>) semaphore(%arg7 : memref<!tpu.dma_semaphore, #tpu.memory_space<semaphore_mem>>)
    %dma_wait3A = arith.constant 0 : i32
    %dma_wait3A_5 = arith.constant 0 : i32
    %dma_wait3A_6 = tpu.memref_slice %arg2[%dma_wait3A, %dma_wait3A_5] : memref<50000x16xf32, #tpu.memory_space<hbm>> -> memref<50000x16xf32, #tpu.memory_space<hbm>>
    tpu.wait_indirect_dma semaphore(%arg7 : memref<!tpu.dma_semaphore, #tpu.memory_space<semaphore_mem>>) src(%dma_wait3A_6 : memref<50000x16xf32, #tpu.memory_space<hbm>>) dst(%arg6 : memref<512x16xf32, #tpu.memory_space<vmem>>)
    "tpu.region"() ({
      %run_scoped3A = tpu.sem_alloc : memref<!tpu.dma_semaphore, #tpu.memory_space<semaphore_mem>>
      %dma_start3A_7 = arith.constant 0 : i32
      %dma_start3A_8 = tpu.memref_slice %arg4[%mul3A_2, %dma_start3A_7] : memref<16384x16xf32, #tpu.memory_space<hbm>> -> memref<512x16xf32, #tpu.memory_space<hbm>>
      %dma_start3A_9 = arith.constant 0 : i32
      %dma_start3A_10 = tpu.memref_slice %arg4[%mul3A_2, %dma_start3A_9] : memref<16384x16xf32, #tpu.memory_space<hbm>> -> memref<512x16xf32, #tpu.memory_space<hbm>>
      tpu.enqueue_dma source(%arg6 : memref<512x16xf32, #tpu.memory_space<vmem>>) target(%dma_start3A_10 : memref<512x16xf32, #tpu.memory_space<hbm>>) target_semaphore(%run_scoped3A : memref<!tpu.dma_semaphore, #tpu.memory_space<semaphore_mem>>)
      %dma_wait3A_11 = arith.constant 0 : i32
      %dma_wait3A_12 = tpu.memref_slice %arg4[%mul3A_2, %dma_wait3A_11] : memref<16384x16xf32, #tpu.memory_space<hbm>> -> memref<512x16xf32, #tpu.memory_space<hbm>>
      %dma_wait3A_13 = arith.constant 0 : i32
      %dma_wait3A_14 = tpu.memref_slice %arg4[%mul3A_2, %dma_wait3A_13] : memref<16384x16xf32, #tpu.memory_space<hbm>> -> memref<512x16xf32, #tpu.memory_space<hbm>>
      tpu.wait_dma2 semaphore(%run_scoped3A : memref<!tpu.dma_semaphore, #tpu.memory_space<semaphore_mem>>) src(%arg6 : memref<512x16xf32, #tpu.memory_space<vmem>>) dst(%dma_wait3A_14 : memref<512x16xf32, #tpu.memory_space<hbm>>)
      tpu.yield
    }) : () -> ()
    return
  }
}

module attributes {stable_mosaic.version = 14 : i64} {
  func.func @_knn_body(%arg0: i32, %arg1: i32, %arg2: memref<256x8xf32, #tpu.memory_space<vmem>>, %arg3: memref<8x2048xf32, #tpu.memory_space<vmem>>, %arg4: memref<256x16xi32, #tpu.memory_space<vmem>>, %arg5: memref<256x16xf32, #tpu.memory_space<vmem>>, %arg6: memref<256x16xi32, #tpu.memory_space<vmem>>, %arg7: memref<256x2048xf32, #tpu.memory_space<vmem>>) attributes {dimension_semantics = [#tpu.dimension_semantics<parallel>, #tpu.dimension_semantics<arbitrary>], iteration_bounds = array<i64: 4, 25>, scalar_prefetch = 0 : i64, scratch_operands = 3 : i64, tpu.core_type = #tpu.core_type<tc>, window_params = [{transform_indices = @transform_0, window_bounds = array<i64: 256, 8>}, {transform_indices = @transform_1, window_bounds = array<i64: 8, 2048>}, {transform_indices = @transform_2, window_bounds = array<i64: 256, 16>}]} {
    %eq3A = arith.constant 0 : i32
    %eq3A_0 = arith.cmpi eq, %arg1, %eq3A : i32
    %convert_element_type3A = arith.extui %eq3A_0 : i1 to i32
    %cond3A = arith.constant 0 : i32
    %cond3A_1 = arith.cmpi ne, %convert_element_type3A, %cond3A : i32
    scf.if %cond3A_1 {
      %broadcast_in_dim3A_62 = arith.constant 1.000000e+30 : f32
      %broadcast_in_dim3A_63 = vector.broadcast %broadcast_in_dim3A_62 : f32 to vector<256x16xf32>
      %swap3A_64 = arith.constant 0 : index
      %swap3A_65 = arith.constant 0 : index
      %swap3A_66 = vector.load %arg5[%swap3A_64, %swap3A_65] : memref<256x16xf32, #tpu.memory_space<vmem>>, vector<256x16xf32>
      tpu.vector_store %arg5[%swap3A_64, %swap3A_65], %broadcast_in_dim3A_63 {strides = array<i32>} : memref<256x16xf32, #tpu.memory_space<vmem>>, vector<256x16xf32>,
      %broadcast_in_dim3A_67 = arith.constant 0 : i32
      %broadcast_in_dim3A_68 = vector.broadcast %broadcast_in_dim3A_67 : i32 to vector<256x16xi32>
      %swap3A_69 = arith.constant 0 : index
      %swap3A_70 = arith.constant 0 : index
      %swap3A_71 = vector.load %arg6[%swap3A_69, %swap3A_70] : memref<256x16xi32, #tpu.memory_space<vmem>>, vector<256x16xi32>
      tpu.vector_store %arg6[%swap3A_69, %swap3A_70], %broadcast_in_dim3A_68 {strides = array<i32>} : memref<256x16xi32, #tpu.memory_space<vmem>>, vector<256x16xi32>,
    } else {
    }
    %get3A = arith.constant 0 : index
    %get3A_2 = arith.constant 0 : index
    %get3A_3 = vector.load %arg2[%get3A, %get3A_2] : memref<256x8xf32, #tpu.memory_space<vmem>>, vector<256x8xf32>
    %get3A_4 = arith.constant 0 : index
    %get3A_5 = arith.constant 0 : index
    %get3A_6 = vector.load %arg3[%get3A_4, %get3A_5] : memref<8x2048xf32, #tpu.memory_space<vmem>>, vector<8x2048xf32>
    %mul3A = arith.mulf %get3A_6, %get3A_6 : vector<8x2048xf32>
    %reduce_sum3A = arith.constant dense<0.000000e+00> : vector<2048xf32>
    %reduce_sum3A_7 = vector.multi_reduction <add>, %mul3A, %reduce_sum3A [0] : vector<8x2048xf32> to vector<2048xf32>
    %broadcast_in_dim3A = vector.shape_cast %reduce_sum3A_7 : vector<2048xf32> to vector<1x2048xf32>
    %dot_general3A = arith.constant dense<0.000000e+00> : vector<256x2048xf32>
    %dot_general3A_8 = tpu.matmul %get3A_3, %get3A_6, %dot_general3A {dimension_numbers = #tpu.dot_dimension_numbers<[1], [0], [0], [1], [0, 0, 1, 1], [], []>, transpose_lhs_hint = false} : vector<256x8xf32>, vector<8x2048xf32>, vector<256x2048xf32> -> vector<256x2048xf32>
    %mul3A_9 = arith.constant 2.000000e+00 : f32
    %mul3A_10 = vector.broadcast %mul3A_9 : f32 to vector<256x2048xf32>
    %mul3A_11 = arith.mulf %mul3A_10, %dot_general3A_8 : vector<256x2048xf32>
    %sub3A = vector.broadcast %broadcast_in_dim3A : vector<1x2048xf32> to vector<256x2048xf32>
    %sub3A_12 = arith.subf %sub3A, %mul3A_11 : vector<256x2048xf32>
    %swap3A = arith.constant 0 : index
    %swap3A_13 = arith.constant 0 : index
    %swap3A_14 = vector.load %arg7[%swap3A, %swap3A_13] : memref<256x2048xf32, #tpu.memory_space<vmem>>, vector<256x2048xf32>
    tpu.vector_store %arg7[%swap3A, %swap3A_13], %sub3A_12 {strides = array<i32>} : memref<256x2048xf32, #tpu.memory_space<vmem>>, vector<256x2048xf32>,
    %mul3A_15 = arith.constant 2048 : i32
    %mul3A_16 = arith.muli %arg1, %mul3A_15 : i32
    %iota3A = tpu.iota {dimensions = array<i32: 1>} : vector<256x2048xi32>
    %iota3A_17 = tpu.iota {dimensions = array<i32: 1>} : vector<256x16xi32>
    %get3A_18 = arith.constant 0 : index
    %get3A_19 = arith.constant 0 : index
    %get3A_20 = vector.load %arg5[%get3A_18, %get3A_19] : memref<256x16xf32, #tpu.memory_space<vmem>>, vector<256x16xf32>
    %reduce_max3A = arith.constant dense<0xFF800000> : vector<256xf32>
    %reduce_max3A_21 = vector.multi_reduction <maximumf>, %get3A_20, %reduce_max3A [1] : vector<256x16xf32> to vector<256xf32>
    %broadcast_in_dim3A_22 = vector.shape_cast %reduce_max3A_21 : vector<256xf32> to vector<256x1xf32>
    %lt3A = vector.broadcast %broadcast_in_dim3A_22 : vector<256x1xf32> to vector<256x2048xf32>
    %lt3A_23 = arith.cmpf olt, %sub3A_12, %lt3A : vector<256x2048xf32>
    %convert_element_type3A_24 = arith.extui %lt3A_23 : vector<256x2048xi1> to vector<256x2048xi32>
    %reduce_sum3A_25 = arith.constant dense<0> : vector<256xi32>
    %reduce_sum3A_26 = vector.multi_reduction <add>, %convert_element_type3A_24, %reduce_sum3A_25 [1] : vector<256x2048xi32> to vector<256xi32>
    %broadcast_in_dim3A_27 = vector.shape_cast %reduce_sum3A_26 : vector<256xi32> to vector<256x1xi32>
    %min3A = arith.constant 16 : i32
    %min3A_28 = vector.broadcast %min3A : i32 to vector<256x1xi32>
    %min3A_29 = arith.minsi %broadcast_in_dim3A_27, %min3A_28 : vector<256x1xi32>
    %reduce_max3A_30 = vector.shape_cast %min3A_29 : vector<256x1xi32> to vector<1x256x1xi32>
    %reduce_max3A_31 = arith.constant dense<-2147483648> : vector<1xi32>
    %reduce_max3A_32 = vector.multi_reduction <maxsi>, %reduce_max3A_30, %reduce_max3A_31 [1, 2] : vector<1x256x1xi32> to vector<1xi32>
    %reduce_max3A_33 = vector.shape_cast %reduce_max3A_32 : vector<1xi32> to vector<1x1x1xi32>
    %reduce_max3A_34 = vector.extract %reduce_max3A_33[0, 0, 0] : i32 from vector<1x1x1xi32>
    %get3A_35 = arith.constant 0 : index
    %get3A_36 = arith.constant 0 : index
    %get3A_37 = vector.load %arg5[%get3A_35, %get3A_36] : memref<256x16xf32, #tpu.memory_space<vmem>>, vector<256x16xf32>
    %get3A_38 = arith.constant 0 : index
    %get3A_39 = arith.constant 0 : index
    %get3A_40 = vector.load %arg6[%get3A_38, %get3A_39] : memref<256x16xi32, #tpu.memory_space<vmem>>, vector<256x16xi32>
    %while3A = arith.constant 0 : i32
    %while3A_41 = arith.subi %reduce_max3A_34, %while3A : i32
    %while3A_42 = arith.addi %while3A, %while3A_41 : i32
    %while3A_43 = arith.constant 1 : i32
    %while3A_44 = arith.divsi %while3A_41, %while3A_43 : i32
    %while3A_45 = arith.muli %while3A_44, %while3A_43 : i32
    %while3A_46 = arith.addi %while3A, %while3A_45 : i32
    %while3A_47 = arith.constant 1 : i32
    %while3A_48:2 = scf.for %while3A_62 = %while3A to %while3A_46 step %while3A_47 iter_args(%while3A_63 = %get3A_37, %while3A_64 = %get3A_40) -> (vector<256x16xf32>, vector<256x16xi32>)  : i32 {
      %get3A_65 = arith.constant 0 : index
      %get3A_66 = arith.constant 0 : index
      %get3A_67 = vector.load %arg7[%get3A_65, %get3A_66] : memref<256x2048xf32, #tpu.memory_space<vmem>>, vector<256x2048xf32>
      %reduce_min3A = arith.constant dense<0x7F800000> : vector<256xf32>
      %reduce_min3A_68 = vector.multi_reduction <minimumf>, %get3A_67, %reduce_min3A [1] : vector<256x2048xf32> to vector<256xf32>
      %broadcast_in_dim3A_69 = vector.shape_cast %reduce_min3A_68 : vector<256xf32> to vector<256x1xf32>
      %eq3A_70 = vector.broadcast %broadcast_in_dim3A_69 : vector<256x1xf32> to vector<256x2048xf32>
      %eq3A_71 = arith.cmpf oeq, %get3A_67, %eq3A_70 : vector<256x2048xf32>
      %jit3A = arith.constant 2048 : i32
      %broadcast_in_dim3A_72 = vector.broadcast %jit3A : i32 to vector<256x2048xi32>
      %select_n3A = arith.select %eq3A_71, %iota3A, %broadcast_in_dim3A_72 : vector<256x2048xi1>, vector<256x2048xi32>
      %reduce_min3A_73 = arith.constant dense<2147483647> : vector<256xi32>
      %reduce_min3A_74 = vector.multi_reduction <minsi>, %select_n3A, %reduce_min3A_73 [1] : vector<256x2048xi32> to vector<256xi32>
      %broadcast_in_dim3A_75 = vector.shape_cast %reduce_min3A_74 : vector<256xi32> to vector<256x1xi32>
      %reduce_max3A_76 = arith.constant dense<0xFF800000> : vector<256xf32>
      %reduce_max3A_77 = vector.multi_reduction <maximumf>, %while3A_63, %reduce_max3A_76 [1] : vector<256x16xf32> to vector<256xf32>
      %broadcast_in_dim3A_78 = vector.shape_cast %reduce_max3A_77 : vector<256xf32> to vector<256x1xf32>
      %eq3A_79 = vector.broadcast %broadcast_in_dim3A_78 : vector<256x1xf32> to vector<256x16xf32>
      %eq3A_80 = arith.cmpf oeq, %while3A_63, %eq3A_79 : vector<256x16xf32>
      %jit3A_81 = arith.constant 16 : i32
      %broadcast_in_dim3A_82 = vector.broadcast %jit3A_81 : i32 to vector<256x16xi32>
      %select_n3A_83 = arith.select %eq3A_80, %iota3A_17, %broadcast_in_dim3A_82 : vector<256x16xi1>, vector<256x16xi32>
      %reduce_min3A_84 = arith.constant dense<2147483647> : vector<256xi32>
      %reduce_min3A_85 = vector.multi_reduction <minsi>, %select_n3A_83, %reduce_min3A_84 [1] : vector<256x16xi32> to vector<256xi32>
      %broadcast_in_dim3A_86 = vector.shape_cast %reduce_min3A_85 : vector<256xi32> to vector<256x1xi32>
      %lt3A_87 = arith.cmpf olt, %broadcast_in_dim3A_69, %broadcast_in_dim3A_78 : vector<256x1xf32>
      %eq3A_88 = vector.broadcast %broadcast_in_dim3A_86 : vector<256x1xi32> to vector<256x16xi32>
      %eq3A_89 = arith.cmpi eq, %iota3A_17, %eq3A_88 : vector<256x16xi32>
      %and3A = vector.broadcast %lt3A_87 : vector<256x1xi1> to vector<256x16xi1>
      %and3A_90 = arith.andi %and3A, %eq3A_89 : vector<256x16xi1>
      %broadcast_in_dim3A_91 = vector.shape_cast %broadcast_in_dim3A_69 : vector<256x1xf32> to vector<256x1xf32>
      %broadcast_in_dim3A_92 = vector.broadcast %broadcast_in_dim3A_91 : vector<256x1xf32> to vector<256x16xf32>
      %select_n3A_93 = arith.select %and3A_90, %broadcast_in_dim3A_92, %while3A_63 : vector<256x16xi1>, vector<256x16xf32>
      %add3A = vector.broadcast %mul3A_16 : i32 to vector<256x1xi32>
      %add3A_94 = arith.addi %add3A, %broadcast_in_dim3A_75 : vector<256x1xi32>
      %broadcast_in_dim3A_95 = vector.shape_cast %add3A_94 : vector<256x1xi32> to vector<256x1xi32>
      %broadcast_in_dim3A_96 = vector.broadcast %broadcast_in_dim3A_95 : vector<256x1xi32> to vector<256x16xi32>
      %select_n3A_97 = arith.select %and3A_90, %broadcast_in_dim3A_96, %while3A_64 : vector<256x16xi1>, vector<256x16xi32>
      %eq3A_98 = vector.broadcast %broadcast_in_dim3A_75 : vector<256x1xi32> to vector<256x2048xi32>
      %eq3A_99 = arith.cmpi eq, %iota3A, %eq3A_98 : vector<256x2048xi32>
      %jit3A_100 = arith.constant 1.000000e+30 : f32
      %broadcast_in_dim3A_101 = vector.broadcast %jit3A_100 : f32 to vector<256x2048xf32>
      %select_n3A_102 = arith.select %eq3A_99, %broadcast_in_dim3A_101, %get3A_67 : vector<256x2048xi1>, vector<256x2048xf32>
      %swap3A_103 = arith.constant 0 : index
      %swap3A_104 = arith.constant 0 : index
      %swap3A_105 = vector.load %arg7[%swap3A_103, %swap3A_104] : memref<256x2048xf32, #tpu.memory_space<vmem>>, vector<256x2048xf32>
      tpu.vector_store %arg7[%swap3A_103, %swap3A_104], %select_n3A_102 {strides = array<i32>} : memref<256x2048xf32, #tpu.memory_space<vmem>>, vector<256x2048xf32>,
      scf.yield %select_n3A_93, %select_n3A_97 : vector<256x16xf32>, vector<256x16xi32>
    }
    %while3A_49 = arith.constant 1 : i32
    %while3A_50:2 = scf.for %while3A_62 = %while3A_46 to %while3A_42 step %while3A_49 iter_args(%while3A_63 = %while3A_48#0, %while3A_64 = %while3A_48#1) -> (vector<256x16xf32>, vector<256x16xi32>)  : i32 {
      %get3A_65 = arith.constant 0 : index
      %get3A_66 = arith.constant 0 : index
      %get3A_67 = vector.load %arg7[%get3A_65, %get3A_66] : memref<256x2048xf32, #tpu.memory_space<vmem>>, vector<256x2048xf32>
      %reduce_min3A = arith.constant dense<0x7F800000> : vector<256xf32>
      %reduce_min3A_68 = vector.multi_reduction <minimumf>, %get3A_67, %reduce_min3A [1] : vector<256x2048xf32> to vector<256xf32>
      %broadcast_in_dim3A_69 = vector.shape_cast %reduce_min3A_68 : vector<256xf32> to vector<256x1xf32>
      %eq3A_70 = vector.broadcast %broadcast_in_dim3A_69 : vector<256x1xf32> to vector<256x2048xf32>
      %eq3A_71 = arith.cmpf oeq, %get3A_67, %eq3A_70 : vector<256x2048xf32>
      %jit3A = arith.constant 2048 : i32
      %broadcast_in_dim3A_72 = vector.broadcast %jit3A : i32 to vector<256x2048xi32>
      %select_n3A = arith.select %eq3A_71, %iota3A, %broadcast_in_dim3A_72 : vector<256x2048xi1>, vector<256x2048xi32>
      %reduce_min3A_73 = arith.constant dense<2147483647> : vector<256xi32>
      %reduce_min3A_74 = vector.multi_reduction <minsi>, %select_n3A, %reduce_min3A_73 [1] : vector<256x2048xi32> to vector<256xi32>
      %broadcast_in_dim3A_75 = vector.shape_cast %reduce_min3A_74 : vector<256xi32> to vector<256x1xi32>
      %reduce_max3A_76 = arith.constant dense<0xFF800000> : vector<256xf32>
      %reduce_max3A_77 = vector.multi_reduction <maximumf>, %while3A_63, %reduce_max3A_76 [1] : vector<256x16xf32> to vector<256xf32>
      %broadcast_in_dim3A_78 = vector.shape_cast %reduce_max3A_77 : vector<256xf32> to vector<256x1xf32>
      %eq3A_79 = vector.broadcast %broadcast_in_dim3A_78 : vector<256x1xf32> to vector<256x16xf32>
      %eq3A_80 = arith.cmpf oeq, %while3A_63, %eq3A_79 : vector<256x16xf32>
      %jit3A_81 = arith.constant 16 : i32
      %broadcast_in_dim3A_82 = vector.broadcast %jit3A_81 : i32 to vector<256x16xi32>
      %select_n3A_83 = arith.select %eq3A_80, %iota3A_17, %broadcast_in_dim3A_82 : vector<256x16xi1>, vector<256x16xi32>
      %reduce_min3A_84 = arith.constant dense<2147483647> : vector<256xi32>
      %reduce_min3A_85 = vector.multi_reduction <minsi>, %select_n3A_83, %reduce_min3A_84 [1] : vector<256x16xi32> to vector<256xi32>
      %broadcast_in_dim3A_86 = vector.shape_cast %reduce_min3A_85 : vector<256xi32> to vector<256x1xi32>
      %lt3A_87 = arith.cmpf olt, %broadcast_in_dim3A_69, %broadcast_in_dim3A_78 : vector<256x1xf32>
      %eq3A_88 = vector.broadcast %broadcast_in_dim3A_86 : vector<256x1xi32> to vector<256x16xi32>
      %eq3A_89 = arith.cmpi eq, %iota3A_17, %eq3A_88 : vector<256x16xi32>
      %and3A = vector.broadcast %lt3A_87 : vector<256x1xi1> to vector<256x16xi1>
      %and3A_90 = arith.andi %and3A, %eq3A_89 : vector<256x16xi1>
      %broadcast_in_dim3A_91 = vector.shape_cast %broadcast_in_dim3A_69 : vector<256x1xf32> to vector<256x1xf32>
      %broadcast_in_dim3A_92 = vector.broadcast %broadcast_in_dim3A_91 : vector<256x1xf32> to vector<256x16xf32>
      %select_n3A_93 = arith.select %and3A_90, %broadcast_in_dim3A_92, %while3A_63 : vector<256x16xi1>, vector<256x16xf32>
      %add3A = vector.broadcast %mul3A_16 : i32 to vector<256x1xi32>
      %add3A_94 = arith.addi %add3A, %broadcast_in_dim3A_75 : vector<256x1xi32>
      %broadcast_in_dim3A_95 = vector.shape_cast %add3A_94 : vector<256x1xi32> to vector<256x1xi32>
      %broadcast_in_dim3A_96 = vector.broadcast %broadcast_in_dim3A_95 : vector<256x1xi32> to vector<256x16xi32>
      %select_n3A_97 = arith.select %and3A_90, %broadcast_in_dim3A_96, %while3A_64 : vector<256x16xi1>, vector<256x16xi32>
      %eq3A_98 = vector.broadcast %broadcast_in_dim3A_75 : vector<256x1xi32> to vector<256x2048xi32>
      %eq3A_99 = arith.cmpi eq, %iota3A, %eq3A_98 : vector<256x2048xi32>
      %jit3A_100 = arith.constant 1.000000e+30 : f32
      %broadcast_in_dim3A_101 = vector.broadcast %jit3A_100 : f32 to vector<256x2048xf32>
      %select_n3A_102 = arith.select %eq3A_99, %broadcast_in_dim3A_101, %get3A_67 : vector<256x2048xi1>, vector<256x2048xf32>
      %swap3A_103 = arith.constant 0 : index
      %swap3A_104 = arith.constant 0 : index
      %swap3A_105 = vector.load %arg7[%swap3A_103, %swap3A_104] : memref<256x2048xf32, #tpu.memory_space<vmem>>, vector<256x2048xf32>
      tpu.vector_store %arg7[%swap3A_103, %swap3A_104], %select_n3A_102 {strides = array<i32>} : memref<256x2048xf32, #tpu.memory_space<vmem>>, vector<256x2048xf32>,
      scf.yield %select_n3A_93, %select_n3A_97 : vector<256x16xf32>, vector<256x16xi32>
    }
    %swap3A_51 = arith.constant 0 : index
    %swap3A_52 = arith.constant 0 : index
    %swap3A_53 = vector.load %arg5[%swap3A_51, %swap3A_52] : memref<256x16xf32, #tpu.memory_space<vmem>>, vector<256x16xf32>
    tpu.vector_store %arg5[%swap3A_51, %swap3A_52], %while3A_50#0 {strides = array<i32>} : memref<256x16xf32, #tpu.memory_space<vmem>>, vector<256x16xf32>,
    %swap3A_54 = arith.constant 0 : index
    %swap3A_55 = arith.constant 0 : index
    %swap3A_56 = vector.load %arg6[%swap3A_54, %swap3A_55] : memref<256x16xi32, #tpu.memory_space<vmem>>, vector<256x16xi32>
    tpu.vector_store %arg6[%swap3A_54, %swap3A_55], %while3A_50#1 {strides = array<i32>} : memref<256x16xi32, #tpu.memory_space<vmem>>, vector<256x16xi32>,
    %eq3A_57 = arith.constant 24 : i32
    %eq3A_58 = arith.cmpi eq, %arg1, %eq3A_57 : i32
    %convert_element_type3A_59 = arith.extui %eq3A_58 : i1 to i32
    %cond3A_60 = arith.constant 0 : i32
    %cond3A_61 = arith.cmpi ne, %convert_element_type3A_59, %cond3A_60 : i32
    scf.if %cond3A_61 {
      %get3A_62 = arith.constant 0 : index
      %get3A_63 = arith.constant 0 : index
      %get3A_64 = vector.load %arg6[%get3A_62, %get3A_63] : memref<256x16xi32, #tpu.memory_space<vmem>>, vector<256x16xi32>
      %swap3A_65 = arith.constant 0 : index
      %swap3A_66 = arith.constant 0 : index
      %swap3A_67 = vector.load %arg4[%swap3A_65, %swap3A_66] : memref<256x16xi32, #tpu.memory_space<vmem>>, vector<256x16xi32>
      tpu.vector_store %arg4[%swap3A_65, %swap3A_66], %get3A_64 {strides = array<i32>} : memref<256x16xi32, #tpu.memory_space<vmem>>, vector<256x16xi32>,
    } else {
    }
    return
  }
  func.func @transform_0(%arg0: i32, %arg1: i32) -> (i32, i32) {
    %c0_i32 = arith.constant 0 : i32
    %c0_i32_0 = arith.constant 0 : i32
    return %arg0, %c0_i32 : i32, i32
  }
  func.func @transform_1(%arg0: i32, %arg1: i32) -> (i32, i32) {
    %c0_i32 = arith.constant 0 : i32
    %c0_i32_0 = arith.constant 0 : i32
    return %c0_i32, %arg1 : i32, i32
  }
  func.func @transform_2(%arg0: i32, %arg1: i32) -> (i32, i32) {
    %c0_i32 = arith.constant 0 : i32
    %c0_i32_0 = arith.constant 0 : i32
    return %arg0, %c0_i32 : i32, i32
  }
}

module attributes {stable_mosaic.version = 14 : i64} {
  func.func @_msg_body(%arg0: i32, %arg1: memref<4096x16xf32, #tpu.memory_space<vmem>>, %arg2: memref<256x16xf32, #tpu.memory_space<vmem>>, %arg3: memref<128x128xf32, #tpu.memory_space<vmem>>, %arg4: memref<1x128xf32, #tpu.memory_space<vmem>>, %arg5: memref<128x128xf32, #tpu.memory_space<vmem>>, %arg6: memref<1x128xf32, #tpu.memory_space<vmem>>, %arg7: memref<256x128xf32, #tpu.memory_space<vmem>>, %arg8: memref<1x128xf32, #tpu.memory_space<vmem>>, %arg9: memref<256x128xf32, #tpu.memory_space<vmem>>) attributes {dimension_semantics = [#tpu.dimension_semantics<parallel>], iteration_bounds = array<i64: 4>, scalar_prefetch = 0 : i64, scratch_operands = 0 : i64, tpu.core_type = #tpu.core_type<tc>, window_params = [{transform_indices = @transform_0, window_bounds = array<i64: 4096, 16>}, {transform_indices = @transform_1, window_bounds = array<i64: 256, 16>}, {pipeline_mode = #tpu.pipeline_mode<synchronous>, transform_indices = @transform_2, window_bounds = array<i64: 128, 128>}, {pipeline_mode = #tpu.pipeline_mode<synchronous>, transform_indices = @transform_3, window_bounds = array<i64: 1, 128>}, {pipeline_mode = #tpu.pipeline_mode<synchronous>, transform_indices = @transform_4, window_bounds = array<i64: 128, 128>}, {pipeline_mode = #tpu.pipeline_mode<synchronous>, transform_indices = @transform_5, window_bounds = array<i64: 1, 128>}, {pipeline_mode = #tpu.pipeline_mode<synchronous>, transform_indices = @transform_6, window_bounds = array<i64: 256, 128>}, {pipeline_mode = #tpu.pipeline_mode<synchronous>, transform_indices = @transform_7, window_bounds = array<i64: 1, 128>}, {transform_indices = @transform_8, window_bounds = array<i64: 256, 128>}]} {
    %get3A = arith.constant 0 : index
    %get3A_0 = arith.constant 0 : index
    %get3A_1 = vector.load %arg1[%get3A, %get3A_0] : memref<4096x16xf32, #tpu.memory_space<vmem>>, vector<4096x16xf32>
    %get3A_2 = arith.constant 0 : index
    %get3A_3 = arith.constant 0 : index
    %get3A_4 = vector.load %arg2[%get3A_2, %get3A_3] : memref<256x16xf32, #tpu.memory_space<vmem>>, vector<256x16xf32>
    %iota3A = tpu.iota {dimensions = array<i32: 0>} : vector<4096x256xi32>
    %jit3A = arith.constant 16 : i32
    %div3A = vector.broadcast %jit3A : i32 to vector<4096x256xi32>
    %div3A_5 = arith.divsi %iota3A, %div3A : vector<4096x256xi32>
    %sign3A = arith.constant 0 : i32
    %sign3A_6 = vector.broadcast %sign3A : i32 to vector<4096x256xi32>
    %sign3A_7 = arith.cmpi sgt, %iota3A, %sign3A_6 : vector<4096x256xi32>
    %sign3A_8 = arith.extui %sign3A_7 : vector<4096x256xi1> to vector<4096x256xi32>
    %sign3A_9 = arith.constant 0 : i32
    %sign3A_10 = vector.broadcast %sign3A_9 : i32 to vector<4096x256xi32>
    %sign3A_11 = arith.cmpi slt, %iota3A, %sign3A_10 : vector<4096x256xi32>
    %sign3A_12 = arith.extui %sign3A_11 : vector<4096x256xi1> to vector<4096x256xi32>
    %sign3A_13 = arith.subi %sign3A_8, %sign3A_12 : vector<4096x256xi32>
    %sign3A_14 = arith.constant 0 : i32
    %sign3A_15 = arith.cmpi sgt, %jit3A, %sign3A_14 : i32
    %sign3A_16 = arith.extui %sign3A_15 : i1 to i32
    %sign3A_17 = arith.constant 0 : i32
    %sign3A_18 = arith.cmpi slt, %jit3A, %sign3A_17 : i32
    %sign3A_19 = arith.extui %sign3A_18 : i1 to i32
    %sign3A_20 = arith.subi %sign3A_16, %sign3A_19 : i32
    %ne3A = vector.broadcast %sign3A_20 : i32 to vector<4096x256xi32>
    %ne3A_21 = arith.cmpi ne, %sign3A_13, %ne3A : vector<4096x256xi32>
    %rem3A = vector.broadcast %jit3A : i32 to vector<4096x256xi32>
    %rem3A_22 = arith.remsi %iota3A, %rem3A : vector<4096x256xi32>
    %ne3A_23 = arith.constant 0 : i32
    %ne3A_24 = vector.broadcast %ne3A_23 : i32 to vector<4096x256xi32>
    %ne3A_25 = arith.cmpi ne, %rem3A_22, %ne3A_24 : vector<4096x256xi32>
    %and3A = arith.andi %ne3A_21, %ne3A_25 : vector<4096x256xi1>
    %sub3A = arith.constant 1 : i32
    %sub3A_26 = vector.broadcast %sub3A : i32 to vector<4096x256xi32>
    %sub3A_27 = arith.subi %div3A_5, %sub3A_26 : vector<4096x256xi32>
    %select_n3A = arith.select %and3A, %sub3A_27, %div3A_5 : vector<4096x256xi1>, vector<4096x256xi32>
    %iota3A_28 = tpu.iota {dimensions = array<i32: 1>} : vector<4096x256xi32>
    %eq3A = arith.cmpi eq, %select_n3A, %iota3A_28 : vector<4096x256xi32>
    %convert_element_type3A = arith.extui %eq3A : vector<4096x256xi1> to vector<4096x256xi32>
    %convert_element_type3A_29 = arith.sitofp %convert_element_type3A : vector<4096x256xi32> to vector<4096x256xf32>
    %dot_general3A = arith.constant dense<0.000000e+00> : vector<4096x16xf32>
    %dot_general3A_30 = tpu.matmul %convert_element_type3A_29, %get3A_4, %dot_general3A {dimension_numbers = #tpu.dot_dimension_numbers<[1], [0], [0], [1], [0, 0, 1, 1], [], []>, transpose_lhs_hint = false} : vector<4096x256xf32>, vector<256x16xf32>, vector<4096x16xf32> -> vector<4096x16xf32>
    %sub3A_31 = arith.subf %dot_general3A_30, %get3A_1 : vector<4096x16xf32>
    %mul3A = arith.mulf %sub3A_31, %sub3A_31 : vector<4096x16xf32>
    %reduce_sum3A = arith.constant dense<0.000000e+00> : vector<4096xf32>
    %reduce_sum3A_32 = vector.multi_reduction <add>, %mul3A, %reduce_sum3A [1] : vector<4096x16xf32> to vector<4096xf32>
    %broadcast_in_dim3A = vector.shape_cast %reduce_sum3A_32 : vector<4096xf32> to vector<4096x1xf32>
    %sqrt3A = math.sqrt %broadcast_in_dim3A : vector<4096x1xf32>
    %iota3A_33 = tpu.iota {dimensions = array<i32: 1>} : vector<1x128xi32>
    %jit3A_34 = arith.constant 32 : i32
    %div3A_35 = vector.broadcast %jit3A_34 : i32 to vector<1x128xi32>
    %div3A_36 = arith.divsi %iota3A_33, %div3A_35 : vector<1x128xi32>
    %sign3A_37 = arith.constant 0 : i32
    %sign3A_38 = vector.broadcast %sign3A_37 : i32 to vector<1x128xi32>
    %sign3A_39 = arith.cmpi sgt, %iota3A_33, %sign3A_38 : vector<1x128xi32>
    %sign3A_40 = arith.extui %sign3A_39 : vector<1x128xi1> to vector<1x128xi32>
    %sign3A_41 = arith.constant 0 : i32
    %sign3A_42 = vector.broadcast %sign3A_41 : i32 to vector<1x128xi32>
    %sign3A_43 = arith.cmpi slt, %iota3A_33, %sign3A_42 : vector<1x128xi32>
    %sign3A_44 = arith.extui %sign3A_43 : vector<1x128xi1> to vector<1x128xi32>
    %sign3A_45 = arith.subi %sign3A_40, %sign3A_44 : vector<1x128xi32>
    %sign3A_46 = arith.constant 0 : i32
    %sign3A_47 = arith.cmpi sgt, %jit3A_34, %sign3A_46 : i32
    %sign3A_48 = arith.extui %sign3A_47 : i1 to i32
    %sign3A_49 = arith.constant 0 : i32
    %sign3A_50 = arith.cmpi slt, %jit3A_34, %sign3A_49 : i32
    %sign3A_51 = arith.extui %sign3A_50 : i1 to i32
    %sign3A_52 = arith.subi %sign3A_48, %sign3A_51 : i32
    %ne3A_53 = vector.broadcast %sign3A_52 : i32 to vector<1x128xi32>
    %ne3A_54 = arith.cmpi ne, %sign3A_45, %ne3A_53 : vector<1x128xi32>
    %rem3A_55 = vector.broadcast %jit3A_34 : i32 to vector<1x128xi32>
    %rem3A_56 = arith.remsi %iota3A_33, %rem3A_55 : vector<1x128xi32>
    %ne3A_57 = arith.constant 0 : i32
    %ne3A_58 = vector.broadcast %ne3A_57 : i32 to vector<1x128xi32>
    %ne3A_59 = arith.cmpi ne, %rem3A_56, %ne3A_58 : vector<1x128xi32>
    %and3A_60 = arith.andi %ne3A_54, %ne3A_59 : vector<1x128xi1>
    %sub3A_61 = arith.constant 1 : i32
    %sub3A_62 = vector.broadcast %sub3A_61 : i32 to vector<1x128xi32>
    %sub3A_63 = arith.subi %div3A_36, %sub3A_62 : vector<1x128xi32>
    %select_n3A_64 = arith.select %and3A_60, %sub3A_63, %div3A_36 : vector<1x128xi1>, vector<1x128xi32>
    %jit3A_65 = arith.constant 32 : i32
    %eq3A_66 = arith.constant 0 : i32
    %eq3A_67 = arith.cmpi eq, %jit3A_65, %eq3A_66 : i32
    %jit3A_68 = arith.constant 1 : i32
    %select_n3A_69 = arith.select %eq3A_67, %jit3A_68, %jit3A_65 : i32
    %rem3A_70 = vector.broadcast %select_n3A_69 : i32 to vector<1x128xi32>
    %rem3A_71 = arith.remsi %iota3A_33, %rem3A_70 : vector<1x128xi32>
    %ne3A_72 = arith.constant 0 : i32
    %ne3A_73 = vector.broadcast %ne3A_72 : i32 to vector<1x128xi32>
    %ne3A_74 = arith.cmpi ne, %rem3A_71, %ne3A_73 : vector<1x128xi32>
    %lt3A = arith.constant 0 : i32
    %lt3A_75 = vector.broadcast %lt3A : i32 to vector<1x128xi32>
    %lt3A_76 = arith.cmpi slt, %rem3A_71, %lt3A_75 : vector<1x128xi32>
    %lt3A_77 = arith.constant 0 : i32
    %lt3A_78 = arith.cmpi slt, %select_n3A_69, %lt3A_77 : i32
    %ne3A_79 = vector.broadcast %lt3A_78 : i1 to vector<1x128xi1>
    %ne3A_80 = vector.broadcast %ne3A_79 : vector<1x128xi1> to vector<1x128xi1>
    %ne3A_81 = arith.xori %lt3A_76, %ne3A_80 : vector<1x128xi1>
    %and3A_82 = arith.andi %ne3A_81, %ne3A_74 : vector<1x128xi1>
    %add3A = vector.broadcast %select_n3A_69 : i32 to vector<1x128xi32>
    %add3A_83 = arith.addi %rem3A_71, %add3A : vector<1x128xi32>
    %select_n3A_84 = arith.select %and3A_82, %add3A_83, %rem3A_71 : vector<1x128xi1>, vector<1x128xi32>
    %jit3A_85 = arith.constant 16 : i32
    %eq3A_86 = arith.constant 0 : i32
    %eq3A_87 = arith.cmpi eq, %jit3A_85, %eq3A_86 : i32
    %jit3A_88 = arith.constant 1 : i32
    %select_n3A_89 = arith.select %eq3A_87, %jit3A_88, %jit3A_85 : i32
    %rem3A_90 = vector.broadcast %select_n3A_89 : i32 to vector<1x128xi32>
    %rem3A_91 = arith.remsi %select_n3A_84, %rem3A_90 : vector<1x128xi32>
    %ne3A_92 = arith.constant 0 : i32
    %ne3A_93 = vector.broadcast %ne3A_92 : i32 to vector<1x128xi32>
    %ne3A_94 = arith.cmpi ne, %rem3A_91, %ne3A_93 : vector<1x128xi32>
    %lt3A_95 = arith.constant 0 : i32
    %lt3A_96 = vector.broadcast %lt3A_95 : i32 to vector<1x128xi32>
    %lt3A_97 = arith.cmpi slt, %rem3A_91, %lt3A_96 : vector<1x128xi32>
    %lt3A_98 = arith.constant 0 : i32
    %lt3A_99 = arith.cmpi slt, %select_n3A_89, %lt3A_98 : i32
    %ne3A_100 = vector.broadcast %lt3A_99 : i1 to vector<1x128xi1>
    %ne3A_101 = vector.broadcast %ne3A_100 : vector<1x128xi1> to vector<1x128xi1>
    %ne3A_102 = arith.xori %lt3A_97, %ne3A_101 : vector<1x128xi1>
    %and3A_103 = arith.andi %ne3A_102, %ne3A_94 : vector<1x128xi1>
    %add3A_104 = vector.broadcast %select_n3A_89 : i32 to vector<1x128xi32>
    %add3A_105 = arith.addi %rem3A_91, %add3A_104 : vector<1x128xi32>
    %select_n3A_106 = arith.select %and3A_103, %add3A_105, %rem3A_91 : vector<1x128xi1>, vector<1x128xi32>
    %jit3A_107 = arith.constant 32 : i32
    %eq3A_108 = arith.constant 0 : i32
    %eq3A_109 = arith.cmpi eq, %jit3A_107, %eq3A_108 : i32
    %jit3A_110 = arith.constant 1 : i32
    %select_n3A_111 = arith.select %eq3A_109, %jit3A_110, %jit3A_107 : i32
    %rem3A_112 = vector.broadcast %select_n3A_111 : i32 to vector<1x128xi32>
    %rem3A_113 = arith.remsi %iota3A_33, %rem3A_112 : vector<1x128xi32>
    %ne3A_114 = arith.constant 0 : i32
    %ne3A_115 = vector.broadcast %ne3A_114 : i32 to vector<1x128xi32>
    %ne3A_116 = arith.cmpi ne, %rem3A_113, %ne3A_115 : vector<1x128xi32>
    %lt3A_117 = arith.constant 0 : i32
    %lt3A_118 = vector.broadcast %lt3A_117 : i32 to vector<1x128xi32>
    %lt3A_119 = arith.cmpi slt, %rem3A_113, %lt3A_118 : vector<1x128xi32>
    %lt3A_120 = arith.constant 0 : i32
    %lt3A_121 = arith.cmpi slt, %select_n3A_111, %lt3A_120 : i32
    %ne3A_122 = vector.broadcast %lt3A_121 : i1 to vector<1x128xi1>
    %ne3A_123 = vector.broadcast %ne3A_122 : vector<1x128xi1> to vector<1x128xi1>
    %ne3A_124 = arith.xori %lt3A_119, %ne3A_123 : vector<1x128xi1>
    %and3A_125 = arith.andi %ne3A_124, %ne3A_116 : vector<1x128xi1>
    %add3A_126 = vector.broadcast %select_n3A_111 : i32 to vector<1x128xi32>
    %add3A_127 = arith.addi %rem3A_113, %add3A_126 : vector<1x128xi32>
    %select_n3A_128 = arith.select %and3A_125, %add3A_127, %rem3A_113 : vector<1x128xi1>, vector<1x128xi32>
    %ge3A = arith.constant 16 : i32
    %ge3A_129 = vector.broadcast %ge3A : i32 to vector<1x128xi32>
    %ge3A_130 = arith.cmpi sge, %select_n3A_128, %ge3A_129 : vector<1x128xi32>
    %convert_element_type3A_131 = arith.sitofp %select_n3A_106 : vector<1x128xi32> to vector<1x128xf32>
    %mul3A_132 = arith.constant -8.304820e-01 : f32
    %mul3A_133 = vector.broadcast %mul3A_132 : f32 to vector<1x128xf32>
    %mul3A_134 = arith.mulf %convert_element_type3A_131, %mul3A_133 : vector<1x128xf32>
    %exp23A = math.exp2 %mul3A_134 : vector<1x128xf32>
    %jit3A_135 = arith.constant 1.57079637 : f32
    %jit3A_136 = arith.constant 0.000000e+00 : f32
    %broadcast_in_dim3A_137 = vector.broadcast %jit3A_135 : f32 to vector<1x128xf32>
    %broadcast_in_dim3A_138 = vector.broadcast %jit3A_136 : f32 to vector<1x128xf32>
    %select_n3A_139 = arith.select %ge3A_130, %broadcast_in_dim3A_137, %broadcast_in_dim3A_138 : vector<1x128xi1>, vector<1x128xf32>
    %slice3A = vector.extract_strided_slice %sub3A_31 {offsets = [0, 0], sizes = [4096, 1], strides = [1, 1]} : vector<4096x16xf32> to vector<4096x1xf32>
    %slice3A_140 = vector.extract_strided_slice %sub3A_31 {offsets = [0, 1], sizes = [4096, 1], strides = [1, 1]} : vector<4096x16xf32> to vector<4096x1xf32>
    %slice3A_141 = vector.extract_strided_slice %sub3A_31 {offsets = [0, 2], sizes = [4096, 1], strides = [1, 1]} : vector<4096x16xf32> to vector<4096x1xf32>
    %broadcast_in_dim3A_142 = vector.shape_cast %select_n3A_64 : vector<1x128xi32> to vector<1x128xi32>
    %broadcast_in_dim3A_143 = vector.broadcast %broadcast_in_dim3A_142 : vector<1x128xi32> to vector<4096x128xi32>
    %eq3A_144 = arith.constant 0 : i32
    %eq3A_145 = vector.broadcast %eq3A_144 : i32 to vector<4096x128xi32>
    %eq3A_146 = arith.cmpi eq, %broadcast_in_dim3A_143, %eq3A_145 : vector<4096x128xi32>
    %eq3A_147 = arith.constant 1 : i32
    %eq3A_148 = vector.broadcast %eq3A_147 : i32 to vector<4096x128xi32>
    %eq3A_149 = arith.cmpi eq, %broadcast_in_dim3A_143, %eq3A_148 : vector<4096x128xi32>
    %broadcast_in_dim3A_150 = vector.shape_cast %slice3A_140 : vector<4096x1xf32> to vector<4096x1xf32>
    %broadcast_in_dim3A_151 = vector.broadcast %broadcast_in_dim3A_150 : vector<4096x1xf32> to vector<4096x128xf32>
    %broadcast_in_dim3A_152 = vector.shape_cast %slice3A_141 : vector<4096x1xf32> to vector<4096x1xf32>
    %broadcast_in_dim3A_153 = vector.broadcast %broadcast_in_dim3A_152 : vector<4096x1xf32> to vector<4096x128xf32>
    %select_n3A_154 = arith.select %eq3A_149, %broadcast_in_dim3A_151, %broadcast_in_dim3A_153 : vector<4096x128xi1>, vector<4096x128xf32>
    %broadcast_in_dim3A_155 = vector.shape_cast %slice3A : vector<4096x1xf32> to vector<4096x1xf32>
    %broadcast_in_dim3A_156 = vector.broadcast %broadcast_in_dim3A_155 : vector<4096x1xf32> to vector<4096x128xf32>
    %select_n3A_157 = arith.select %eq3A_146, %broadcast_in_dim3A_156, %select_n3A_154 : vector<4096x128xi1>, vector<4096x128xf32>
    %eq3A_158 = arith.constant 3 : i32
    %eq3A_159 = vector.broadcast %eq3A_158 : i32 to vector<4096x128xi32>
    %eq3A_160 = arith.cmpi eq, %broadcast_in_dim3A_143, %eq3A_159 : vector<4096x128xi32>
    %broadcast_in_dim3A_161 = vector.shape_cast %sqrt3A : vector<4096x1xf32> to vector<4096x1xf32>
    %broadcast_in_dim3A_162 = vector.broadcast %broadcast_in_dim3A_161 : vector<4096x1xf32> to vector<4096x128xf32>
    %select_n3A_163 = arith.select %eq3A_160, %broadcast_in_dim3A_162, %select_n3A_157 : vector<4096x128xi1>, vector<4096x128xf32>
    %mul3A_164 = vector.broadcast %exp23A : vector<1x128xf32> to vector<4096x128xf32>
    %mul3A_165 = arith.mulf %select_n3A_163, %mul3A_164 : vector<4096x128xf32>
    %add3A_166 = vector.broadcast %select_n3A_139 : vector<1x128xf32> to vector<4096x128xf32>
    %add3A_167 = arith.addf %mul3A_165, %add3A_166 : vector<4096x128xf32>
    %sin3A = math.sin %add3A_167 : vector<4096x128xf32>
    %get3A_168 = arith.constant 0 : index
    %get3A_169 = arith.constant 0 : index
    %get3A_170 = vector.load %arg3[%get3A_168, %get3A_169] : memref<128x128xf32, #tpu.memory_space<vmem>>, vector<128x128xf32>
    %dot_general3A_171 = arith.constant dense<0.000000e+00> : vector<4096x128xf32>
    %dot_general3A_172 = tpu.matmul %sin3A, %get3A_170, %dot_general3A_171 {dimension_numbers = #tpu.dot_dimension_numbers<[1], [0], [0], [1], [0, 0, 1, 1], [], []>, transpose_lhs_hint = false} : vector<4096x128xf32>, vector<128x128xf32>, vector<4096x128xf32> -> vector<4096x128xf32>
    %get3A_173 = arith.constant 0 : index
    %get3A_174 = arith.constant 0 : index
    %get3A_175 = vector.load %arg4[%get3A_173, %get3A_174] : memref<1x128xf32, #tpu.memory_space<vmem>>, vector<1x128xf32>
    %add3A_176 = vector.broadcast %get3A_175 : vector<1x128xf32> to vector<4096x128xf32>
    %add3A_177 = arith.addf %dot_general3A_172, %add3A_176 : vector<4096x128xf32>
    %mul3A_178 = arith.constant 5.000000e-01 : f32
    %mul3A_179 = vector.broadcast %mul3A_178 : f32 to vector<4096x128xf32>
    %mul3A_180 = arith.mulf %mul3A_179, %add3A_177 : vector<4096x128xf32>
    %mul3A_181 = arith.constant 0.707106769 : f32
    %mul3A_182 = vector.broadcast %mul3A_181 : f32 to vector<4096x128xf32>
    %mul3A_183 = arith.mulf %add3A_177, %mul3A_182 : vector<4096x128xf32>
    %erf3A = math.erf %mul3A_183 : vector<4096x128xf32>
    %add3A_184 = arith.constant 1.000000e+00 : f32
    %add3A_185 = vector.broadcast %add3A_184 : f32 to vector<4096x128xf32>
    %add3A_186 = arith.addf %add3A_185, %erf3A : vector<4096x128xf32>
    %mul3A_187 = arith.mulf %mul3A_180, %add3A_186 : vector<4096x128xf32>
    %get3A_188 = arith.constant 0 : index
    %get3A_189 = arith.constant 0 : index
    %get3A_190 = vector.load %arg5[%get3A_188, %get3A_189] : memref<128x128xf32, #tpu.memory_space<vmem>>, vector<128x128xf32>
    %dot_general3A_191 = arith.constant dense<0.000000e+00> : vector<4096x128xf32>
    %dot_general3A_192 = tpu.matmul %mul3A_187, %get3A_190, %dot_general3A_191 {dimension_numbers = #tpu.dot_dimension_numbers<[1], [0], [0], [1], [0, 0, 1, 1], [], []>, transpose_lhs_hint = false} : vector<4096x128xf32>, vector<128x128xf32>, vector<4096x128xf32> -> vector<4096x128xf32>
    %get3A_193 = arith.constant 0 : index
    %get3A_194 = arith.constant 0 : index
    %get3A_195 = vector.load %arg6[%get3A_193, %get3A_194] : memref<1x128xf32, #tpu.memory_space<vmem>>, vector<1x128xf32>
    %add3A_196 = vector.broadcast %get3A_195 : vector<1x128xf32> to vector<4096x128xf32>
    %add3A_197 = arith.addf %dot_general3A_192, %add3A_196 : vector<4096x128xf32>
    %dot_general3A_198 = arith.constant dense<0.000000e+00> : vector<256x128xf32>
    %dot_general3A_199 = tpu.matmul %convert_element_type3A_29, %add3A_197, %dot_general3A_198 {dimension_numbers = #tpu.dot_dimension_numbers<[0], [0], [1], [1], [0, 1, 1, 1], [], []>, transpose_lhs_hint = false} : vector<4096x256xf32>, vector<4096x128xf32>, vector<256x128xf32> -> vector<256x128xf32>
    %mul3A_200 = arith.constant 6.250000e-02 : f32
    %mul3A_201 = vector.broadcast %mul3A_200 : f32 to vector<256x128xf32>
    %mul3A_202 = arith.mulf %dot_general3A_199, %mul3A_201 : vector<256x128xf32>
    %iota3A_203 = tpu.iota {dimensions = array<i32: 1>} : vector<1x128xi32>
    %jit3A_204 = arith.constant 42 : i32
    %div3A_205 = vector.broadcast %jit3A_204 : i32 to vector<1x128xi32>
    %div3A_206 = arith.divsi %iota3A_203, %div3A_205 : vector<1x128xi32>
    %sign3A_207 = arith.constant 0 : i32
    %sign3A_208 = vector.broadcast %sign3A_207 : i32 to vector<1x128xi32>
    %sign3A_209 = arith.cmpi sgt, %iota3A_203, %sign3A_208 : vector<1x128xi32>
    %sign3A_210 = arith.extui %sign3A_209 : vector<1x128xi1> to vector<1x128xi32>
    %sign3A_211 = arith.constant 0 : i32
    %sign3A_212 = vector.broadcast %sign3A_211 : i32 to vector<1x128xi32>
    %sign3A_213 = arith.cmpi slt, %iota3A_203, %sign3A_212 : vector<1x128xi32>
    %sign3A_214 = arith.extui %sign3A_213 : vector<1x128xi1> to vector<1x128xi32>
    %sign3A_215 = arith.subi %sign3A_210, %sign3A_214 : vector<1x128xi32>
    %sign3A_216 = arith.constant 0 : i32
    %sign3A_217 = arith.cmpi sgt, %jit3A_204, %sign3A_216 : i32
    %sign3A_218 = arith.extui %sign3A_217 : i1 to i32
    %sign3A_219 = arith.constant 0 : i32
    %sign3A_220 = arith.cmpi slt, %jit3A_204, %sign3A_219 : i32
    %sign3A_221 = arith.extui %sign3A_220 : i1 to i32
    %sign3A_222 = arith.subi %sign3A_218, %sign3A_221 : i32
    %ne3A_223 = vector.broadcast %sign3A_222 : i32 to vector<1x128xi32>
    %ne3A_224 = arith.cmpi ne, %sign3A_215, %ne3A_223 : vector<1x128xi32>
    %rem3A_225 = vector.broadcast %jit3A_204 : i32 to vector<1x128xi32>
    %rem3A_226 = arith.remsi %iota3A_203, %rem3A_225 : vector<1x128xi32>
    %ne3A_227 = arith.constant 0 : i32
    %ne3A_228 = vector.broadcast %ne3A_227 : i32 to vector<1x128xi32>
    %ne3A_229 = arith.cmpi ne, %rem3A_226, %ne3A_228 : vector<1x128xi32>
    %and3A_230 = arith.andi %ne3A_224, %ne3A_229 : vector<1x128xi1>
    %sub3A_231 = arith.constant 1 : i32
    %sub3A_232 = vector.broadcast %sub3A_231 : i32 to vector<1x128xi32>
    %sub3A_233 = arith.subi %div3A_206, %sub3A_232 : vector<1x128xi32>
    %select_n3A_234 = arith.select %and3A_230, %sub3A_233, %div3A_206 : vector<1x128xi1>, vector<1x128xi32>
    %min3A = arith.constant 2 : i32
    %min3A_235 = vector.broadcast %min3A : i32 to vector<1x128xi32>
    %min3A_236 = arith.minsi %select_n3A_234, %min3A_235 : vector<1x128xi32>
    %jit3A_237 = arith.constant 42 : i32
    %eq3A_238 = arith.constant 0 : i32
    %eq3A_239 = arith.cmpi eq, %jit3A_237, %eq3A_238 : i32
    %jit3A_240 = arith.constant 1 : i32
    %select_n3A_241 = arith.select %eq3A_239, %jit3A_240, %jit3A_237 : i32
    %rem3A_242 = vector.broadcast %select_n3A_241 : i32 to vector<1x128xi32>
    %rem3A_243 = arith.remsi %iota3A_203, %rem3A_242 : vector<1x128xi32>
    %ne3A_244 = arith.constant 0 : i32
    %ne3A_245 = vector.broadcast %ne3A_244 : i32 to vector<1x128xi32>
    %ne3A_246 = arith.cmpi ne, %rem3A_243, %ne3A_245 : vector<1x128xi32>
    %lt3A_247 = arith.constant 0 : i32
    %lt3A_248 = vector.broadcast %lt3A_247 : i32 to vector<1x128xi32>
    %lt3A_249 = arith.cmpi slt, %rem3A_243, %lt3A_248 : vector<1x128xi32>
    %lt3A_250 = arith.constant 0 : i32
    %lt3A_251 = arith.cmpi slt, %select_n3A_241, %lt3A_250 : i32
    %ne3A_252 = vector.broadcast %lt3A_251 : i1 to vector<1x128xi1>
    %ne3A_253 = vector.broadcast %ne3A_252 : vector<1x128xi1> to vector<1x128xi1>
    %ne3A_254 = arith.xori %lt3A_249, %ne3A_253 : vector<1x128xi1>
    %and3A_255 = arith.andi %ne3A_254, %ne3A_246 : vector<1x128xi1>
    %add3A_256 = vector.broadcast %select_n3A_241 : i32 to vector<1x128xi32>
    %add3A_257 = arith.addi %rem3A_243, %add3A_256 : vector<1x128xi32>
    %select_n3A_258 = arith.select %and3A_255, %add3A_257, %rem3A_243 : vector<1x128xi1>, vector<1x128xi32>
    %jit3A_259 = arith.constant 21 : i32
    %eq3A_260 = arith.constant 0 : i32
    %eq3A_261 = arith.cmpi eq, %jit3A_259, %eq3A_260 : i32
    %jit3A_262 = arith.constant 1 : i32
    %select_n3A_263 = arith.select %eq3A_261, %jit3A_262, %jit3A_259 : i32
    %rem3A_264 = vector.broadcast %select_n3A_263 : i32 to vector<1x128xi32>
    %rem3A_265 = arith.remsi %select_n3A_258, %rem3A_264 : vector<1x128xi32>
    %ne3A_266 = arith.constant 0 : i32
    %ne3A_267 = vector.broadcast %ne3A_266 : i32 to vector<1x128xi32>
    %ne3A_268 = arith.cmpi ne, %rem3A_265, %ne3A_267 : vector<1x128xi32>
    %lt3A_269 = arith.constant 0 : i32
    %lt3A_270 = vector.broadcast %lt3A_269 : i32 to vector<1x128xi32>
    %lt3A_271 = arith.cmpi slt, %rem3A_265, %lt3A_270 : vector<1x128xi32>
    %lt3A_272 = arith.constant 0 : i32
    %lt3A_273 = arith.cmpi slt, %select_n3A_263, %lt3A_272 : i32
    %ne3A_274 = vector.broadcast %lt3A_273 : i1 to vector<1x128xi1>
    %ne3A_275 = vector.broadcast %ne3A_274 : vector<1x128xi1> to vector<1x128xi1>
    %ne3A_276 = arith.xori %lt3A_271, %ne3A_275 : vector<1x128xi1>
    %and3A_277 = arith.andi %ne3A_276, %ne3A_268 : vector<1x128xi1>
    %add3A_278 = vector.broadcast %select_n3A_263 : i32 to vector<1x128xi32>
    %add3A_279 = arith.addi %rem3A_265, %add3A_278 : vector<1x128xi32>
    %select_n3A_280 = arith.select %and3A_277, %add3A_279, %rem3A_265 : vector<1x128xi1>, vector<1x128xi32>
    %jit3A_281 = arith.constant 42 : i32
    %eq3A_282 = arith.constant 0 : i32
    %eq3A_283 = arith.cmpi eq, %jit3A_281, %eq3A_282 : i32
    %jit3A_284 = arith.constant 1 : i32
    %select_n3A_285 = arith.select %eq3A_283, %jit3A_284, %jit3A_281 : i32
    %rem3A_286 = vector.broadcast %select_n3A_285 : i32 to vector<1x128xi32>
    %rem3A_287 = arith.remsi %iota3A_203, %rem3A_286 : vector<1x128xi32>
    %ne3A_288 = arith.constant 0 : i32
    %ne3A_289 = vector.broadcast %ne3A_288 : i32 to vector<1x128xi32>
    %ne3A_290 = arith.cmpi ne, %rem3A_287, %ne3A_289 : vector<1x128xi32>
    %lt3A_291 = arith.constant 0 : i32
    %lt3A_292 = vector.broadcast %lt3A_291 : i32 to vector<1x128xi32>
    %lt3A_293 = arith.cmpi slt, %rem3A_287, %lt3A_292 : vector<1x128xi32>
    %lt3A_294 = arith.constant 0 : i32
    %lt3A_295 = arith.cmpi slt, %select_n3A_285, %lt3A_294 : i32
    %ne3A_296 = vector.broadcast %lt3A_295 : i1 to vector<1x128xi1>
    %ne3A_297 = vector.broadcast %ne3A_296 : vector<1x128xi1> to vector<1x128xi1>
    %ne3A_298 = arith.xori %lt3A_293, %ne3A_297 : vector<1x128xi1>
    %and3A_299 = arith.andi %ne3A_298, %ne3A_290 : vector<1x128xi1>
    %add3A_300 = vector.broadcast %select_n3A_285 : i32 to vector<1x128xi32>
    %add3A_301 = arith.addi %rem3A_287, %add3A_300 : vector<1x128xi32>
    %select_n3A_302 = arith.select %and3A_299, %add3A_301, %rem3A_287 : vector<1x128xi1>, vector<1x128xi32>
    %ge3A_303 = arith.constant 21 : i32
    %ge3A_304 = vector.broadcast %ge3A_303 : i32 to vector<1x128xi32>
    %ge3A_305 = arith.cmpi sge, %select_n3A_302, %ge3A_304 : vector<1x128xi32>
    %lt3A_306 = arith.constant 126 : i32
    %lt3A_307 = vector.broadcast %lt3A_306 : i32 to vector<1x128xi32>
    %lt3A_308 = arith.cmpi slt, %iota3A_203, %lt3A_307 : vector<1x128xi32>
    %convert_element_type3A_309 = arith.sitofp %select_n3A_280 : vector<1x128xi32> to vector<1x128xf32>
    %mul3A_310 = arith.constant -0.632748186 : f32
    %mul3A_311 = vector.broadcast %mul3A_310 : f32 to vector<1x128xf32>
    %mul3A_312 = arith.mulf %convert_element_type3A_309, %mul3A_311 : vector<1x128xf32>
    %exp23A_313 = math.exp2 %mul3A_312 : vector<1x128xf32>
    %jit3A_314 = arith.constant 0.000000e+00 : f32
    %broadcast_in_dim3A_315 = vector.broadcast %jit3A_314 : f32 to vector<1x128xf32>
    %select_n3A_316 = arith.select %lt3A_308, %exp23A_313, %broadcast_in_dim3A_315 : vector<1x128xi1>, vector<1x128xf32>
    %jit3A_317 = arith.constant 1.57079637 : f32
    %jit3A_318 = arith.constant 0.000000e+00 : f32
    %broadcast_in_dim3A_319 = vector.broadcast %jit3A_317 : f32 to vector<1x128xf32>
    %broadcast_in_dim3A_320 = vector.broadcast %jit3A_318 : f32 to vector<1x128xf32>
    %select_n3A_321 = arith.select %ge3A_305, %broadcast_in_dim3A_319, %broadcast_in_dim3A_320 : vector<1x128xi1>, vector<1x128xf32>
    %lt3A_322 = arith.constant 126 : i32
    %lt3A_323 = vector.broadcast %lt3A_322 : i32 to vector<1x128xi32>
    %lt3A_324 = arith.cmpi slt, %iota3A_203, %lt3A_323 : vector<1x128xi32>
    %convert_element_type3A_325 = arith.extui %lt3A_324 : vector<1x128xi1> to vector<1x128xi32>
    %convert_element_type3A_326 = arith.sitofp %convert_element_type3A_325 : vector<1x128xi32> to vector<1x128xf32>
    %slice3A_327 = vector.extract_strided_slice %get3A_4 {offsets = [0, 0], sizes = [256, 1], strides = [1, 1]} : vector<256x16xf32> to vector<256x1xf32>
    %slice3A_328 = vector.extract_strided_slice %get3A_4 {offsets = [0, 1], sizes = [256, 1], strides = [1, 1]} : vector<256x16xf32> to vector<256x1xf32>
    %slice3A_329 = vector.extract_strided_slice %get3A_4 {offsets = [0, 2], sizes = [256, 1], strides = [1, 1]} : vector<256x16xf32> to vector<256x1xf32>
    %broadcast_in_dim3A_330 = vector.shape_cast %min3A_236 : vector<1x128xi32> to vector<1x128xi32>
    %broadcast_in_dim3A_331 = vector.broadcast %broadcast_in_dim3A_330 : vector<1x128xi32> to vector<256x128xi32>
    %eq3A_332 = arith.constant 0 : i32
    %eq3A_333 = vector.broadcast %eq3A_332 : i32 to vector<256x128xi32>
    %eq3A_334 = arith.cmpi eq, %broadcast_in_dim3A_331, %eq3A_333 : vector<256x128xi32>
    %eq3A_335 = arith.constant 1 : i32
    %eq3A_336 = vector.broadcast %eq3A_335 : i32 to vector<256x128xi32>
    %eq3A_337 = arith.cmpi eq, %broadcast_in_dim3A_331, %eq3A_336 : vector<256x128xi32>
    %broadcast_in_dim3A_338 = vector.shape_cast %slice3A_328 : vector<256x1xf32> to vector<256x1xf32>
    %broadcast_in_dim3A_339 = vector.broadcast %broadcast_in_dim3A_338 : vector<256x1xf32> to vector<256x128xf32>
    %broadcast_in_dim3A_340 = vector.shape_cast %slice3A_329 : vector<256x1xf32> to vector<256x1xf32>
    %broadcast_in_dim3A_341 = vector.broadcast %broadcast_in_dim3A_340 : vector<256x1xf32> to vector<256x128xf32>
    %select_n3A_342 = arith.select %eq3A_337, %broadcast_in_dim3A_339, %broadcast_in_dim3A_341 : vector<256x128xi1>, vector<256x128xf32>
    %broadcast_in_dim3A_343 = vector.shape_cast %slice3A_327 : vector<256x1xf32> to vector<256x1xf32>
    %broadcast_in_dim3A_344 = vector.broadcast %broadcast_in_dim3A_343 : vector<256x1xf32> to vector<256x128xf32>
    %select_n3A_345 = arith.select %eq3A_334, %broadcast_in_dim3A_344, %select_n3A_342 : vector<256x128xi1>, vector<256x128xf32>
    %mul3A_346 = vector.broadcast %select_n3A_316 : vector<1x128xf32> to vector<256x128xf32>
    %mul3A_347 = arith.mulf %select_n3A_345, %mul3A_346 : vector<256x128xf32>
    %add3A_348 = vector.broadcast %select_n3A_321 : vector<1x128xf32> to vector<256x128xf32>
    %add3A_349 = arith.addf %mul3A_347, %add3A_348 : vector<256x128xf32>
    %sin3A_350 = math.sin %add3A_349 : vector<256x128xf32>
    %mul3A_351 = vector.broadcast %convert_element_type3A_326 : vector<1x128xf32> to vector<256x128xf32>
    %mul3A_352 = arith.mulf %sin3A_350, %mul3A_351 : vector<256x128xf32>
    %get3A_353 = arith.constant 0 : index
    %get3A_354 = arith.constant 0 : index
    %get3A_355 = vector.load %arg7[%get3A_353, %get3A_354] : memref<256x128xf32, #tpu.memory_space<vmem>>, vector<256x128xf32>
    %slice3A_356 = vector.extract_strided_slice %get3A_355 {offsets = [0, 0], sizes = [128, 128], strides = [1, 1]} : vector<256x128xf32> to vector<128x128xf32>
    %dot_general3A_357 = arith.constant dense<0.000000e+00> : vector<256x128xf32>
    %dot_general3A_358 = tpu.matmul %mul3A_202, %slice3A_356, %dot_general3A_357 {dimension_numbers = #tpu.dot_dimension_numbers<[1], [0], [0], [1], [0, 0, 1, 1], [], []>, transpose_lhs_hint = false} : vector<256x128xf32>, vector<128x128xf32>, vector<256x128xf32> -> vector<256x128xf32>
    %slice3A_359 = vector.extract_strided_slice %get3A_355 {offsets = [128, 0], sizes = [128, 128], strides = [1, 1]} : vector<256x128xf32> to vector<128x128xf32>
    %dot_general3A_360 = arith.constant dense<0.000000e+00> : vector<256x128xf32>
    %dot_general3A_361 = tpu.matmul %mul3A_352, %slice3A_359, %dot_general3A_360 {dimension_numbers = #tpu.dot_dimension_numbers<[1], [0], [0], [1], [0, 0, 1, 1], [], []>, transpose_lhs_hint = false} : vector<256x128xf32>, vector<128x128xf32>, vector<256x128xf32> -> vector<256x128xf32>
    %add3A_362 = arith.addf %dot_general3A_358, %dot_general3A_361 : vector<256x128xf32>
    %get3A_363 = arith.constant 0 : index
    %get3A_364 = arith.constant 0 : index
    %get3A_365 = vector.load %arg8[%get3A_363, %get3A_364] : memref<1x128xf32, #tpu.memory_space<vmem>>, vector<1x128xf32>
    %add3A_366 = vector.broadcast %get3A_365 : vector<1x128xf32> to vector<256x128xf32>
    %add3A_367 = arith.addf %add3A_362, %add3A_366 : vector<256x128xf32>
    %swap3A = arith.constant 0 : index
    %swap3A_368 = arith.constant 0 : index
    %swap3A_369 = vector.load %arg9[%swap3A, %swap3A_368] : memref<256x128xf32, #tpu.memory_space<vmem>>, vector<256x128xf32>
    tpu.vector_store %arg9[%swap3A, %swap3A_368], %add3A_367 {strides = array<i32>} : memref<256x128xf32, #tpu.memory_space<vmem>>, vector<256x128xf32>,
    return
  }
  func.func @transform_0(%arg0: i32) -> (i32, i32) {
    %c0_i32 = arith.constant 0 : i32
    %c0_i32_0 = arith.constant 0 : i32
    return %arg0, %c0_i32 : i32, i32
  }
  func.func @transform_1(%arg0: i32) -> (i32, i32) {
    %c0_i32 = arith.constant 0 : i32
    %c0_i32_0 = arith.constant 0 : i32
    return %arg0, %c0_i32 : i32, i32
  }
  func.func @transform_2(%arg0: i32) -> (i32, i32) {
    %c0_i32 = arith.constant 0 : i32
    %c0_i32_0 = arith.constant 0 : i32
    %c0_i32_1 = arith.constant 0 : i32
    return %c0_i32, %c0_i32_0 : i32, i32
  }
  func.func @transform_3(%arg0: i32) -> (i32, i32) {
    %c0_i32 = arith.constant 0 : i32
    %c0_i32_0 = arith.constant 0 : i32
    %c0_i32_1 = arith.constant 0 : i32
    return %c0_i32, %c0_i32_0 : i32, i32
  }
  func.func @transform_4(%arg0: i32) -> (i32, i32) {
    %c0_i32 = arith.constant 0 : i32
    %c0_i32_0 = arith.constant 0 : i32
    %c0_i32_1 = arith.constant 0 : i32
    return %c0_i32, %c0_i32_0 : i32, i32
  }
  func.func @transform_5(%arg0: i32) -> (i32, i32) {
    %c0_i32 = arith.constant 0 : i32
    %c0_i32_0 = arith.constant 0 : i32
    %c0_i32_1 = arith.constant 0 : i32
    return %c0_i32, %c0_i32_0 : i32, i32
  }
  func.func @transform_6(%arg0: i32) -> (i32, i32) {
    %c0_i32 = arith.constant 0 : i32
    %c0_i32_0 = arith.constant 0 : i32
    %c0_i32_1 = arith.constant 0 : i32
    return %c0_i32, %c0_i32_0 : i32, i32
  }
  func.func @transform_7(%arg0: i32) -> (i32, i32) {
    %c0_i32 = arith.constant 0 : i32
    %c0_i32_0 = arith.constant 0 : i32
    %c0_i32_1 = arith.constant 0 : i32
    return %c0_i32, %c0_i32_0 : i32, i32
  }
  func.func @transform_8(%arg0: i32) -> (i32, i32) {
    %c0_i32 = arith.constant 0 : i32
    %c0_i32_0 = arith.constant 0 : i32
    return %arg0, %c0_i32 : i32, i32
  }
}

</mosaic_0001>

<sc_bundles>
// kernel: kernel.6.cloned.1.call-start
scs
__scs_entry_jumppad:
0x0: {  	(pc) =	sbr.rel $0x88, $3  }
0x1: {  	(tag) =	ssettag $0x0;
	lr =	simm.s32 $0x1  }
0x2: {  	[smem:$0x3F99] =	sst lr;
	_ =	strace $0xD0000000  }
0x3: {  	_ = 	snop  }
0x4: {  	_ = 	snop  }
0x5: {  	_ = 	snop  }
0x6: {  	_ = 	snop  }
0x7: {  	_ = 	snop  }
__scs_overlays_trampoline_lowered:
0x8: {  	[smem:$0x3FA8] =	sst s0  }
0x9: {  	[smem:$0x3FA9] =	sst s1  }
0xa: {  	[smem:$0x3FAA] =	sst s2  }
0xb: {  	[smem:$0x3FAB] =	sst s3  }
0xc: {  	[smem:$0x3FAC] =	sst s4  }
0xd: {  	[smem:$0x3FAD] =	sst s5  }
0xe: {  	[smem:$0x3FAE] =	sst s6  }
0xf: {  	[smem:$0x3FAF] =	sst s7  }
0x10: {  	[smem:$0x3FB0] =	sst s8  }
0x11: {  	[smem:$0x3FB1] =	sst s9;
	s0 =	simm.s32 @!p0 $0x0  }
0x12: {  	s1 =	sld [smem:$0x3F97];
	s0 =	simm.s32 @p0 $0x1  }
0x13: {  	[smem:$0x3FB2] =	sst s0;
	s0 =	simm.s32 @!p1 $0x0  }
0x14: {  	s2 =	sld [smem:$0x3F96];
	s0 =	simm.s32 @p1 $0x1  }
0x15: {  	[smem:$0x3FB3] =	sst s0;
	s0 =	simm.s32 @!p2 $0x0  }
0x16: {  	s3 =	sld [smem:$0x3FDB];
	s0 =	simm.s32 @p2 $0x1  }
0x17: {  	s4 =	simm.s32 $0x1BF5;
	[smem:$0x3FB5] =	sst s0  }
0x18: {  	s0 =	sld [smem:$0x3F98];
	_ =	swait.ge [sflag:s4], $0x0  }
0x19: {  	s7 =	sld [smem:$0x3F99]  }
0x1a: {  	s8 =	sadd.s32 $0xFFFFE003, lr  }
0x1b: {  	s9 =	sadd.s32 $0xFFFFFEF7, lr;
	s5 =	simm.s32 $0xFFFFFFFF;
	p2 =	slt.u32 s8, $0xFFFFF086  }
0x1c: {  	p1 =	slt.u32 s9, $0xF7A;
	s5 =	simm.s32 @!p2 $0x0  }
0x1d: {  	s5 =	simm.s32 @p1 $0x1;
	p0 =	seq.s32 s7, s2  }
0x1e: {  	s7 =	smul.u32 @!p0 $0xF7A, s2;
	p2 =	seq.s32 @!p0 s5, $0x0  }
0x1f: {  	s9 =	smul.u32 $0xF7A, s1;
	s8 =	simm.s32 @!p0 $0x1BF5;
	p2 =	por !p2, p0  }
0x20: {  	[sflag:s8] =	ssyncset.s32 @!p0 $0xFFFFF086;
	s6 =	sadd.s32 @!p0 s3, s7;
	s7 =	simm.s32 @!p0 $0x108  }
0x21: {  	s3 =	sadd.s32 s3, s9;
	s6 =	sadd.s32 @!p0 $0x88, s6;
	s7 =	simm.s32 @p2 $0x1082  }
0x22: {  	[simem:s7], [sflag:s8] =	dma.local @!p0 [hbm:s6], $0xF7A  }
0x23: {  	s9 =	sor.u32 $0xD0000000, s2;
	s6 =	simm.s32 $0x108;
	_ =	swait.ge @!p0 [sflag:s8], $0x0  }
0x24: {  	s3 =	sadd.s32 $0x88, s3;
	s6 =	simm.s32 @!p1 $0x1082;
	[sflag:s4] =	ssyncset.s32 $0xFFFFF086  }
0x25: {  	[simem:s6], [sflag:s4] =	dma.local [hbm:s3], $0xF7A  }
0x26: {  	[smem:$0x3F99] =	sst s1;
	(tag) =	ssettag s2;
	_ =	strace s9  }
0x27: {  	s1 =	sld [smem:$0x3FA9]  }
0x28: {  	s2 =	sld [smem:$0x3FAA]  }
0x29: {  	s4 =	sld [smem:$0x3FAC]  }
0x2a: {  	p0 =	seq.s32 s5, $0x0;
	s5 =	sld [smem:$0x3FAD]  }
0x2b: {  	s6 =	sld [smem:$0x3FAE]  }
0x2c: {  	s7 =	sld [smem:$0x3FAF]  }
0x2d: {  	s3 =	simm.s32 $0x108;
	s8 =	sld [smem:$0x3FB0]  }
0x2e: {  	s3 =	simm.s32 @!p0 $0x1082;
	s9 =	sld [smem:$0x3FB1]  }
0x2f: {  	lr =	sadd.s32 s0, s3;
	s0 =	sld [smem:$0x3FA8]  }
0x30: {  	s3 =	sld [smem:$0x3FAB]  }
0x31: {  	[smem:$0x3FB4] =	sst s10  }
0x32: {  	s10 =	sld [smem:$0x3FB2];
	_ =	sdelay $0x3  }
0x33: {  	p0 =	seq.s32 s10, $0x1;
	s10 =	sld [smem:$0x3FB4];
	_ =	sdelay $0x3  }
0x34: {  	[smem:$0x3FB4] =	sst s10  }
0x35: {  	s10 =	sld [smem:$0x3FB3];
	_ =	sdelay $0x3  }
0x36: {  	p1 =	seq.s32 s10, $0x1;
	s10 =	sld [smem:$0x3FB4];
	_ =	sdelay $0x3  }
0x37: {  	[smem:$0x3FB4] =	sst s10  }
0x38: {  	s10 =	sld [smem:$0x3FB5]  }
0x39: {  	_ = 	snop;
	(pc) =	sbr.ind lr, $3  }
0x3a: {  	_ = 	snop  }
0x3b: {  	_ = 	snop  }
0x3c: {  	p2 =	seq.s32 s10, $0x1;
	s10 =	sld [smem:$0x3FB4]  }
0x3d: {  	_ =	shalt  }
0x3e: {  	_ =	shalt  }
0x3f: {  	_ =	shalt  }
0x40: {  	_ =	shalt  }
0x41: {  	_ =	shalt  }
0x42: {  	_ =	shalt  }
0x43: {  	_ =	shalt  }
0x44: {  	_ =	shalt  }
0x45: {  	_ =	shalt  }
0x46: {  	_ =	shalt  }
0x47: {  	_ =	shalt  }
0x48: {  	_ =	shalt  }
0x49: {  	_ =	shalt  }
0x4a: {  	_ =	shalt  }
0x4b: {  	_ =	shalt  }
0x4c: {  	_ =	shalt  }
0x4d: {  	_ =	shalt  }
0x4e: {  	_ =	shalt  }
0x4f: {  	_ =	shalt  }
0x50: {  	_ =	shalt  }
0x51: {  	_ =	shalt  }
0x52: {  	_ =	shalt  }
0x53: {  	_ =	shalt  }
0x54: {  	_ =	shalt  }
0x55: {  	_ =	shalt  }
0x56: {  	_ =	shalt  }
0x57: {  	_ =	shalt  }
0x58: {  	_ =	shalt  }
0x59: {  	_ =	shalt  }
0x5a: {  	_ =	shalt  }
0x5b: {  	_ =	shalt  }
0x5c: {  	_ =	shalt  }
0x5d: {  	_ =	shalt  }
0x5e: {  	_ =	shalt  }
0x5f: {  	_ =	shalt  }
0x60: {  	_ =	shalt  }
0x61: {  	_ =	shalt  }
0x62: {  	_ =	shalt  }
0x63: {  	_ =	shalt  }
0x64: {  	_ =	shalt  }
0x65: {  	_ =	shalt  }
0x66: {  	_ =	shalt  }
0x67: {  	_ =	shalt  }
0x68: {  	_ =	shalt  }
0x69: {  	_ =	shalt  }
0x6a: {  	_ =	shalt  }
0x6b: {  	_ =	shalt  }
0x6c: {  	_ =	shalt  }
0x6d: {  	_ =	shalt  }
0x6e: {  	_ =	shalt  }
0x6f: {  	_ =	shalt  }
0x70: {  	_ =	shalt  }
0x71: {  	_ =	shalt  }
0x72: {  	_ =	shalt  }
0x73: {  	_ =	shalt  }
0x74: {  	_ =	shalt  }
0x75: {  	_ =	shalt  }
0x76: {  	_ =	shalt  }
0x77: {  	_ =	shalt  }
0x78: {  	_ =	shalt  }
0x79: {  	_ =	shalt  }
0x7a: {  	_ =	shalt  }
0x7b: {  	_ =	shalt  }
0x7c: {  	_ =	shalt  }
0x7d: {  	_ =	shalt  }
0x7e: {  	_ =	shalt  }
0x7f: {  	_ =	shalt  }
0x80: {  	_ =	shalt  }
0x81: {  	_ =	shalt  }
0x82: {  	_ =	shalt  }
0x83: {  	_ =	shalt  }
0x84: {  	_ =	shalt  }
0x85: {  	_ =	shalt  }
0x86: {  	_ =	shalt  }
0x87: {  	_ =	shalt  }
.Lfunc_end0:
.L_simem_size_0:
called_computation_lowered:
.L_overlay_start_0:
0x88: {  	s2 =	sld [smem:$0x3FD9]  }
0x89: {  	s3 =	sld [smem:$0x3FFE];
	_ =	sdelay $0x1  }
0x8a: {  	s1 =	srdreg.scid  }
0x8b: {  	s0 =	sand.u32 $0x1, s1  }
0x8c: {  	s17 =	sshll.u32 s0, $0xA;
	s2 =	sadd.s32 s3, s2  }
0x8d: {  	s2 =	sadd.s32 s2, s17  }
0x8e: {  	[smem:$0x3FC0] =	sst s2  }
0x8f: {  	_ = 	snop  }
0x90: {  	s2 =	sld [smem:$0x3FC8]  }
0x91: {  	s18 =	sld [smem:$0x3FD0];
	(tm) =	ssettm $0x1  }
0x92: {  	s4 =	sld [smem:$0x3FFB];
	_ =	sdelay $0x3  }
0x93: {  	_ =	strace s4  }
0x94: {  	s4 =	sld [smem:$0x3FFC];
	_ =	sdelay $0x3  }
0x95: {  	_ =	strace s4  }
0x96: {  	s4 =	sld [smem:$0x3FFD];
	_ =	sdelay $0x3  }
0x97: {  	_ =	strace s4  }
0x98: {  	_ =	strace $0x8FFFFFFF  }
0x99: {  	s19 =	sld [smem:$0x3FDB];
	_ =	sdelay $0x1  }
0x9a: {  	s5 =	simm.s32 $_scs_section_size  }
0x9b: {  	s6 =	simm.s32 $_size__tile_overlayer_lowered;
	s7 =	simm.s32 $_tile_overlayer_lowered  }
0x9c: {  	s22 =	simm.s32 $0x1BFF;
	s21 =	sshll.u32 s7, $0x1;
	s4 =	sadd.s32 s5, s19  }
0x9d: {  	s8 =	simm.s32 $0x0;
	s20 =	sshll.u32 s6, $0x1;
	s6 =	sadd.s32 s21, s4  }
0x9e: {  	[timem:s8], [sflag:s22] =	dma.local [hbm:s6], s20  }
0x9f: {  	_ =	swait.ge [sflag:s22], s20  }
0xa0: {  	s5 =	ssub.s32 $0x0, s20;
	[sflag:s22] =	ssyncset.done $0x0  }
0xa1: {  	[sflag:s22] =	ssyncadd.s32 s5;
	_ =	sdelay $0x1  }
0xa2: {  	s23 =	simm.s32 $0x1B8B  }
0xa3: {  	_ =	swait.ge [sflag:s23], $0x1  }
0xa4: {  	[sflag:s23] =	ssyncset.done $0x0  }
0xa5: {  	s25 =	simm.s32 $0x1B8E;
	s24 =	sld [smem:$0x3FFE];
	[sflag:s23] =	ssyncadd.s32 $0xFFFFFFFF  }
0xa6: {  	s26 =	simm.s32 $execute0_lowered;
	[smem:$0x3FD2] =	sst s25  }
0xa7: {  	s6 =	sshll.u32 s26, $0x1;
	_ =	strace $0x80000046;
	[dreg:$0x1] =	wrdreg $0xFFFFFFFF  }
0xa8: {  	s28 =	simm.s32 $_size_execute0_lowered;
	s4 =	sadd.s32 s4, s6;
	[dreg:$0x0] =	wrdreg $0x0  }
0xa9: {  	s6 =	sshll.u32 s28, $0x1;
	[dreg:$0x2] =	wrdreg s4  }
0xaa: {  	[dreg:$0x3] =	wrdreg s6  }
0xab: {  	[dreg:$0x4] =	wrdreg $0xC0  }
0xac: {  	_ =	task [dreg:s8], $0x5FFFF  }
0xad: {  	[dreg:$0x1] =	wrdreg $0xFFFFFFFF  }
0xae: {  	[dreg:$0x0] =	wrdreg $0x60  }
0xaf: {  	[dreg:$0x2] =	wrdreg s24  }
0xb0: {  	[dreg:$0x3] =	wrdreg s2  }
0xb1: {  	[dreg:$0x4] =	wrdreg s18  }
0xb2: {  	[dreg:$0x5] =	wrdreg $0x9  }
0xb3: {  	_ =	task.clear_ibuf [dreg:s8], $0x6FFFF;
	_ =	strace $0x90000046  }
0xb4: {  	s29 =	simm.s32 $0x9;
	_ =	strace $0x80000048  }
0xb5: {  	_ =	swait.ge [sflag:s29], $0x1  }
0xb6: {  	[sflag:s29] =	ssyncadd.s32 $0xFFFFFFFF  }
0xb7: {  	_ =	strace $0x90000048  }
0xb8: {  	_ =	sfence  }
0xb9: {  	s30 =	sld [smem:$0x0];
	_ =	sdelay $0x2  }
0xba: {  	s31 =	sshll.u32 s1, $0xD;
	s1 =	sshrl.u32 s1, $0x2  }
0xbb: {  	s3 =	sand.u32 $0x4000, s31;
	s1 =	sadd.s32 s1, s30  }
0xbc: {  	s0 =	sor.u32 s3, s0;
	s1 =	sshll.u32 s1, $0x11  }
0xbd: {  	s0 =	sor.u32 s1, s0  }
0xbe: {  	s0 =	sadd.s32 $0x8F2B, s0  }
0xbf: {  	[sflag:s0] =	ssyncadd.remote.s32 $0x1  }
0xc0: {  	_ =	sfence.sel $0xFFFF  }
0xc1: {  	[dreg:$0x0] =	wrdreg $0xFFFFFFFF;
	(pc) =	sbr.abs _section_cstart, $3  }
0xc2: {  	[dreg:$0x1] =	wrdreg $0xFFFFFFFF  }
0xc3: {  	_ =	task.clear_ibuf [dreg:s8], $0x2FFFF;
	_ =	strace $0x9FFFFFFF  }
0xc4: {  	(tm) =	ssettm $0x7FFFFFFF  }
0xc5: {  	_ =	shalt  }
tec
execute0_lowered:
.L_overlay_start_1:
0x0: {  	(tag) =	ssettag $0x1  }
0x1: {  	s5 =	rddreg [dreg:$0x0]  }
0x2: {  	s1 =	srdreg.scid;
	s3 =	rddreg [dreg:$0x1]  }
0x3: {  	s0 =	stileid.u32;
	s8 =	rddreg [dreg:$0x2];
	s6 =	sand.u32 $0x1, s1  }
0x4: {  	s2 =	simm.s32 $0x0;
	s4 =	sshll.u32 s0, $0x6;
	s7 =	sshll.u32 s6, $0x5  }
0x5: {  	[smem:$0x7FF] =	sst s2;
	s9 =	sor.u32 s7, s4  }
0x6: {  	s1 =	rddreg [dreg:$0x3];
	_ =	strace $0x80000047;
	s4 =	sshrl.u32 s9, $0x3  }
0x7: {  	s10 =	ssub.s32 $0x2, s6;
	s4 =	sadd.s32 s3, s4;
	s3 =	simm.s32 $0x2  }
0x8: {  	[tilespmem:s2], [sflag:$0x2] =	stream.linear.gather [hbm4b:s4+s2], $0x20, $0x38;
	[tilespmem:$0x220] =	vst v63  }
0x9: {  	s5 =	sadd.s32 $0xC4600, s5;
	s11 =	sshrl.u32 s10, $0x1;
	_ =	swait.ge [sflag:s3], $0x20  }
0xa: {  	s6 =	simm.s32 $0x20;
	s10 =	ssub.s32 s10, s11;
	[sflag:s3] =	ssyncset.done $0x0  }
0xb: {  	s7 =	simm.s32 $0x1;
	s31 =	smax.u32 s10, $0x1;
	[sflag:s3] =	ssyncadd.s32 $0xFFFFFFE0  }
0xc: {  	[tilespmem:s6], [sflag:$0x1] =	stream.indirect.gather [hbm4b:s5+s6], $0x10, s2, s6, $0xb8;
	[tilespmem:$0x220] =	vst v63  }
0xd: {  	p0 =	sne.s32 s31, $0x1;
	_ =	swait.ge [sflag:s7], $0x200  }
.Ltmp0:
0xe: {  	s9 =	sshll.u32 s9, $0x1;
	[sflag:s7] =	ssyncset.done $0x0;
	(pc) =	sbr.rel @!p0 .LBB2_2-.Ltmp0, $4  }
0xf: {  	s8 =	sadd.s32 s8, s9;
	[sflag:s7] =	ssyncadd.s32 $0xFFFFFE00  }
0x10: {  	[hbm4b:s8+s2] =	stream.linear.scatter [tilespmem:s6], [sflag:$0x2], $0x200, $0x38;
	[tilespmem:$0x220] =	vst v63  }
0x11: {  	_ =	swait.ge [sflag:s3], $0x200  }
0x12: {  	s9 =	sadd.s32 $0xFFFFFFFF, s31;
	[sflag:s3] =	ssyncset.done $0x0  }
.LBB2_1:
0x13: {  	p0 =	sne.s32 s9, $0x1;
	s9 =	sadd.s32 $0xFFFFFFFF, s9;
	[sflag:s3] =	ssyncadd.s32 $0xFFFFFE00  }
0x14: {  	[tilespmem:s2], [sflag:$0x2] =	stream.linear.gather [hbm4b:s4+s2], $0x20, $0x38;
	[tilespmem:$0x220] =	vst v63  }
0x15: {  	_ =	swait.ge [sflag:s3], $0x20  }
0x16: {  	[sflag:s3] =	ssyncset.done $0x0  }
0x17: {  	[sflag:s3] =	ssyncadd.s32 $0xFFFFFFE0  }
0x18: {  	[tilespmem:s6], [sflag:$0x1] =	stream.indirect.gather [hbm4b:s5+s6], $0x10, s2, s6, $0xb8;
	[tilespmem:$0x220] =	vst v63  }
0x19: {  	_ =	swait.ge [sflag:s7], $0x200  }
.Ltmp1:
0x1a: {  	[sflag:s7] =	ssyncset.done $0x0;
	(pc) =	sbr.rel @p0 .LBB2_1-.Ltmp1, $4  }
0x1b: {  	[sflag:s7] =	ssyncadd.s32 $0xFFFFFE00  }
0x1c: {  	[hbm4b:s8+s2] =	stream.linear.scatter [tilespmem:s6], [sflag:$0x2], $0x200, $0x38;
	[tilespmem:$0x220] =	vst v63  }
0x1d: {  	_ =	swait.ge [sflag:s3], $0x200  }
0x1e: {  	[sflag:s3] =	ssyncset.done $0x0  }
.LBB2_2:
0x1f: {  	[sflag:s3] =	ssyncadd.s32 $0xFFFFFE00  }
0x20: {  	_ =	sfence.sel $0x180000  }
0x21: {  	[bflag:$0x0] =	sbarrier.arrive $0xFFFF  }
0x22: {  	p0 =	sne.s32 s0, $0x0;
	_ =	strace $0x90000047  }
0x23: {  	s0 =	sadd.s32 @!p0 $0x100000, s1;
	[bflag:$0x2] =	sbarrier.arrive $0xFFFF  }
0x24: {  	[sflag:s0] =	ssyncadd.tile.s32 @!p0 $0x1;
	_ =	shalt  }
.Lfunc_end2:
_tile_overlayer_lowered:
.L_overlay_start_2:
0x25: {  	(tag) =	ssettag $0x2  }
0x26: {  	s0 =	rddreg [dreg:$0x0];
	s2 =	stileid.u32  }
0x27: {  	s1 =	rddreg [dreg:$0x1];
	p0 =	sne.s32 s2, $0x0  }
0x28: {  	s3 =	rddreg [dreg:$0x2];
	[bflag:$0x3] =	sbarrier.arrive $0xFFFF;
	s2 =	simm.s32 @!p0 $0x1C02  }
0x29: {  	[timem:s3], [sflag:s2] =	dma.local @!p0 [hbm:s0], s1  }
0x2a: {  	s0 =	simm.s32 @!p0 $0x2  }
0x2b: {  	_ =	swait.ge @!p0 [sflag:s0], s1  }
0x2c: {  	s1 =	ssub.s32 @!p0 $0x0, s1;
	[sflag:s0] =	ssyncset.done @!p0 $0x0  }
0x2d: {  	[sflag:s0] =	ssyncadd.s32 @!p0 s1  }
0x2e: {  	[bflag:$0x3] =	sbarrier.arrive $0xFFFF  }
0x2f: {  	_ =	shalt  }

// kernel: kernel.9.cloned.1.call-start
scs
__scs_entry_jumppad:
0x0: {  	(pc) =	sbr.rel $0x88, $3  }
0x1: {  	(tag) =	ssettag $0x0;
	lr =	simm.s32 $0x1  }
0x2: {  	[smem:$0x3F99] =	sst lr;
	_ =	strace $0xD0000000  }
0x3: {  	_ = 	snop  }
0x4: {  	_ = 	snop  }
0x5: {  	_ = 	snop  }
0x6: {  	_ = 	snop  }
0x7: {  	_ = 	snop  }
__scs_overlays_trampoline_lowered:
0x8: {  	[smem:$0x3FA8] =	sst s0  }
0x9: {  	[smem:$0x3FA9] =	sst s1  }
0xa: {  	[smem:$0x3FAA] =	sst s2  }
0xb: {  	[smem:$0x3FAB] =	sst s3  }
0xc: {  	[smem:$0x3FAC] =	sst s4  }
0xd: {  	[smem:$0x3FAD] =	sst s5  }
0xe: {  	[smem:$0x3FAE] =	sst s6  }
0xf: {  	[smem:$0x3FAF] =	sst s7  }
0x10: {  	[smem:$0x3FB0] =	sst s8  }
0x11: {  	[smem:$0x3FB1] =	sst s9;
	s0 =	simm.s32 @!p0 $0x0  }
0x12: {  	s1 =	sld [smem:$0x3F97];
	s0 =	simm.s32 @p0 $0x1  }
0x13: {  	[smem:$0x3FB2] =	sst s0;
	s0 =	simm.s32 @!p1 $0x0  }
0x14: {  	s2 =	sld [smem:$0x3F96];
	s0 =	simm.s32 @p1 $0x1  }
0x15: {  	[smem:$0x3FB3] =	sst s0;
	s0 =	simm.s32 @!p2 $0x0  }
0x16: {  	s3 =	sld [smem:$0x3FDB];
	s0 =	simm.s32 @p2 $0x1  }
0x17: {  	s4 =	simm.s32 $0x1BF5;
	[smem:$0x3FB5] =	sst s0  }
0x18: {  	s0 =	sld [smem:$0x3F98];
	_ =	swait.ge [sflag:s4], $0x0  }
0x19: {  	s7 =	sld [smem:$0x3F99]  }
0x1a: {  	s8 =	sadd.s32 $0xFFFFE003, lr  }
0x1b: {  	s9 =	sadd.s32 $0xFFFFFEF7, lr;
	s5 =	simm.s32 $0xFFFFFFFF;
	p2 =	slt.u32 s8, $0xFFFFF086  }
0x1c: {  	p1 =	slt.u32 s9, $0xF7A;
	s5 =	simm.s32 @!p2 $0x0  }
0x1d: {  	s5 =	simm.s32 @p1 $0x1;
	p0 =	seq.s32 s7, s2  }
0x1e: {  	s7 =	smul.u32 @!p0 $0xF7A, s2;
	p2 =	seq.s32 @!p0 s5, $0x0  }
0x1f: {  	s9 =	smul.u32 $0xF7A, s1;
	s8 =	simm.s32 @!p0 $0x1BF5;
	p2 =	por !p2, p0  }
0x20: {  	[sflag:s8] =	ssyncset.s32 @!p0 $0xFFFFF086;
	s6 =	sadd.s32 @!p0 s3, s7;
	s7 =	simm.s32 @!p0 $0x108  }
0x21: {  	s3 =	sadd.s32 s3, s9;
	s6 =	sadd.s32 @!p0 $0x88, s6;
	s7 =	simm.s32 @p2 $0x1082  }
0x22: {  	[simem:s7], [sflag:s8] =	dma.local @!p0 [hbm:s6], $0xF7A  }
0x23: {  	s9 =	sor.u32 $0xD0000000, s2;
	s6 =	simm.s32 $0x108;
	_ =	swait.ge @!p0 [sflag:s8], $0x0  }
0x24: {  	s3 =	sadd.s32 $0x88, s3;
	s6 =	simm.s32 @!p1 $0x1082;
	[sflag:s4] =	ssyncset.s32 $0xFFFFF086  }
0x25: {  	[simem:s6], [sflag:s4] =	dma.local [hbm:s3], $0xF7A  }
0x26: {  	[smem:$0x3F99] =	sst s1;
	(tag) =	ssettag s2;
	_ =	strace s9  }
0x27: {  	s1 =	sld [smem:$0x3FA9]  }
0x28: {  	s2 =	sld [smem:$0x3FAA]  }
0x29: {  	s4 =	sld [smem:$0x3FAC]  }
0x2a: {  	p0 =	seq.s32 s5, $0x0;
	s5 =	sld [smem:$0x3FAD]  }
0x2b: {  	s6 =	sld [smem:$0x3FAE]  }
0x2c: {  	s7 =	sld [smem:$0x3FAF]  }
0x2d: {  	s3 =	simm.s32 $0x108;
	s8 =	sld [smem:$0x3FB0]  }
0x2e: {  	s3 =	simm.s32 @!p0 $0x1082;
	s9 =	sld [smem:$0x3FB1]  }
0x2f: {  	lr =	sadd.s32 s0, s3;
	s0 =	sld [smem:$0x3FA8]  }
0x30: {  	s3 =	sld [smem:$0x3FAB]  }
0x31: {  	[smem:$0x3FB4] =	sst s10  }
0x32: {  	s10 =	sld [smem:$0x3FB2];
	_ =	sdelay $0x3  }
0x33: {  	p0 =	seq.s32 s10, $0x1;
	s10 =	sld [smem:$0x3FB4];
	_ =	sdelay $0x3  }
0x34: {  	[smem:$0x3FB4] =	sst s10  }
0x35: {  	s10 =	sld [smem:$0x3FB3];
	_ =	sdelay $0x3  }
0x36: {  	p1 =	seq.s32 s10, $0x1;
	s10 =	sld [smem:$0x3FB4];
	_ =	sdelay $0x3  }
0x37: {  	[smem:$0x3FB4] =	sst s10  }
0x38: {  	s10 =	sld [smem:$0x3FB5]  }
0x39: {  	_ = 	snop;
	(pc) =	sbr.ind lr, $3  }
0x3a: {  	_ = 	snop  }
0x3b: {  	_ = 	snop  }
0x3c: {  	p2 =	seq.s32 s10, $0x1;
	s10 =	sld [smem:$0x3FB4]  }
0x3d: {  	_ =	shalt  }
0x3e: {  	_ =	shalt  }
0x3f: {  	_ =	shalt  }
0x40: {  	_ =	shalt  }
0x41: {  	_ =	shalt  }
0x42: {  	_ =	shalt  }
0x43: {  	_ =	shalt  }
0x44: {  	_ =	shalt  }
0x45: {  	_ =	shalt  }
0x46: {  	_ =	shalt  }
0x47: {  	_ =	shalt  }
0x48: {  	_ =	shalt  }
0x49: {  	_ =	shalt  }
0x4a: {  	_ =	shalt  }
0x4b: {  	_ =	shalt  }
0x4c: {  	_ =	shalt  }
0x4d: {  	_ =	shalt  }
0x4e: {  	_ =	shalt  }
0x4f: {  	_ =	shalt  }
0x50: {  	_ =	shalt  }
0x51: {  	_ =	shalt  }
0x52: {  	_ =	shalt  }
0x53: {  	_ =	shalt  }
0x54: {  	_ =	shalt  }
0x55: {  	_ =	shalt  }
0x56: {  	_ =	shalt  }
0x57: {  	_ =	shalt  }
0x58: {  	_ =	shalt  }
0x59: {  	_ =	shalt  }
0x5a: {  	_ =	shalt  }
0x5b: {  	_ =	shalt  }
0x5c: {  	_ =	shalt  }
0x5d: {  	_ =	shalt  }
0x5e: {  	_ =	shalt  }
0x5f: {  	_ =	shalt  }
0x60: {  	_ =	shalt  }
0x61: {  	_ =	shalt  }
0x62: {  	_ =	shalt  }
0x63: {  	_ =	shalt  }
0x64: {  	_ =	shalt  }
0x65: {  	_ =	shalt  }
0x66: {  	_ =	shalt  }
0x67: {  	_ =	shalt  }
0x68: {  	_ =	shalt  }
0x69: {  	_ =	shalt  }
0x6a: {  	_ =	shalt  }
0x6b: {  	_ =	shalt  }
0x6c: {  	_ =	shalt  }
0x6d: {  	_ =	shalt  }
0x6e: {  	_ =	shalt  }
0x6f: {  	_ =	shalt  }
0x70: {  	_ =	shalt  }
0x71: {  	_ =	shalt  }
0x72: {  	_ =	shalt  }
0x73: {  	_ =	shalt  }
0x74: {  	_ =	shalt  }
0x75: {  	_ =	shalt  }
0x76: {  	_ =	shalt  }
0x77: {  	_ =	shalt  }
0x78: {  	_ =	shalt  }
0x79: {  	_ =	shalt  }
0x7a: {  	_ =	shalt  }
0x7b: {  	_ =	shalt  }
0x7c: {  	_ =	shalt  }
0x7d: {  	_ =	shalt  }
0x7e: {  	_ =	shalt  }
0x7f: {  	_ =	shalt  }
0x80: {  	_ =	shalt  }
0x81: {  	_ =	shalt  }
0x82: {  	_ =	shalt  }
0x83: {  	_ =	shalt  }
0x84: {  	_ =	shalt  }
0x85: {  	_ =	shalt  }
0x86: {  	_ =	shalt  }
0x87: {  	_ =	shalt  }
.Lfunc_end0:
.L_simem_size_0:
called_computation.1_lowered:
.L_overlay_start_0:
0x88: {  	s2 =	sld [smem:$0x3FD9]  }
0x89: {  	s3 =	sld [smem:$0x3FFE];
	_ =	sdelay $0x1  }
0x8a: {  	s1 =	srdreg.scid  }
0x8b: {  	s0 =	sand.u32 $0x1, s1  }
0x8c: {  	s17 =	sshll.u32 s0, $0xA;
	s2 =	sadd.s32 s3, s2  }
0x8d: {  	s2 =	sadd.s32 s2, s17  }
0x8e: {  	[smem:$0x3FC0] =	sst s2  }
0x8f: {  	_ = 	snop  }
0x90: {  	s2 =	sld [smem:$0x3FD0];
	(tm) =	ssettm $0x1  }
0x91: {  	s18 =	sld [smem:$0x3FFB];
	_ =	sdelay $0x3  }
0x92: {  	_ =	strace s18  }
0x93: {  	s3 =	sld [smem:$0x3FFC];
	_ =	sdelay $0x3  }
0x94: {  	_ =	strace s3  }
0x95: {  	s3 =	sld [smem:$0x3FFD];
	_ =	sdelay $0x3  }
0x96: {  	_ =	strace s3  }
0x97: {  	_ =	strace $0x8FFFFFFF  }
0x98: {  	s19 =	sld [smem:$0x3FDB];
	_ =	sdelay $0x1  }
0x99: {  	s4 =	simm.s32 $_scs_section_size  }
0x9a: {  	s5 =	simm.s32 $_size__tile_overlayer_lowered;
	s6 =	simm.s32 $_tile_overlayer_lowered  }
0x9b: {  	s22 =	simm.s32 $0x1BFF;
	s21 =	sshll.u32 s6, $0x1;
	s3 =	sadd.s32 s4, s19  }
0x9c: {  	s7 =	simm.s32 $0x0;
	s20 =	sshll.u32 s5, $0x1;
	s5 =	sadd.s32 s21, s3  }
0x9d: {  	[timem:s7], [sflag:s22] =	dma.local [hbm:s5], s20  }
0x9e: {  	_ =	swait.ge [sflag:s22], s20  }
0x9f: {  	s4 =	ssub.s32 $0x0, s20;
	[sflag:s22] =	ssyncset.done $0x0  }
0xa0: {  	[sflag:s22] =	ssyncadd.s32 s4;
	_ =	sdelay $0x1  }
0xa1: {  	s23 =	simm.s32 $0x1B8B  }
0xa2: {  	_ =	swait.ge [sflag:s23], $0x1  }
0xa3: {  	[sflag:s23] =	ssyncset.done $0x0  }
0xa4: {  	s25 =	simm.s32 $0x1B8E;
	s24 =	sld [smem:$0x3FFE];
	[sflag:s23] =	ssyncadd.s32 $0xFFFFFFFF  }
0xa5: {  	s26 =	simm.s32 $execute0_lowered;
	[smem:$0x3FD2] =	sst s25  }
0xa6: {  	s5 =	sshll.u32 s26, $0x1;
	_ =	strace $0x80000049;
	[dreg:$0x1] =	wrdreg $0xFFFFFFFF  }
0xa7: {  	s28 =	simm.s32 $_size_execute0_lowered;
	s3 =	sadd.s32 s3, s5;
	[dreg:$0x0] =	wrdreg $0x0  }
0xa8: {  	s5 =	sshll.u32 s28, $0x1;
	[dreg:$0x2] =	wrdreg s3  }
0xa9: {  	[dreg:$0x3] =	wrdreg s5  }
0xaa: {  	[dreg:$0x4] =	wrdreg $0xC0  }
0xab: {  	_ =	task [dreg:s7], $0x5FFFF  }
0xac: {  	[dreg:$0x1] =	wrdreg $0xFFFFFFFF  }
0xad: {  	[dreg:$0x0] =	wrdreg $0x60  }
0xae: {  	[dreg:$0x2] =	wrdreg s24  }
0xaf: {  	[dreg:$0x3] =	wrdreg s2  }
0xb0: {  	[dreg:$0x4] =	wrdreg $0x9  }
0xb1: {  	_ =	task.clear_ibuf [dreg:s7], $0x5FFFF;
	_ =	strace $0x90000049  }
0xb2: {  	s29 =	simm.s32 $0x9;
	_ =	strace $0x8000004B  }
0xb3: {  	_ =	swait.ge [sflag:s29], $0x1  }
0xb4: {  	[sflag:s29] =	ssyncadd.s32 $0xFFFFFFFF  }
0xb5: {  	_ =	strace $0x9000004B  }
0xb6: {  	_ =	sfence  }
0xb7: {  	s30 =	sld [smem:$0x0];
	_ =	sdelay $0x2  }
0xb8: {  	s31 =	sshll.u32 s1, $0xD;
	s1 =	sshrl.u32 s1, $0x2  }
0xb9: {  	s3 =	sand.u32 $0x4000, s31;
	s1 =	sadd.s32 s1, s30  }
0xba: {  	s0 =	sor.u32 s3, s0;
	s1 =	sshll.u32 s1, $0x11  }
0xbb: {  	s0 =	sor.u32 s1, s0  }
0xbc: {  	s0 =	sadd.s32 $0x8F2B, s0  }
0xbd: {  	[sflag:s0] =	ssyncadd.remote.s32 $0x1  }
0xbe: {  	_ =	sfence.sel $0xFFFF  }
0xbf: {  	[dreg:$0x0] =	wrdreg $0xFFFFFFFF;
	(pc) =	sbr.abs _section_cstart, $3  }
0xc0: {  	[dreg:$0x1] =	wrdreg $0xFFFFFFFF  }
0xc1: {  	_ =	task.clear_ibuf [dreg:s7], $0x2FFFF;
	_ =	strace $0x9FFFFFFF  }
0xc2: {  	(tm) =	ssettm $0x7FFFFFFF  }
0xc3: {  	_ =	shalt  }
tec
execute0_lowered:
.L_overlay_start_1:
0x0: {  	(tag) =	ssettag $0x1  }
0x1: {  	s1 =	srdreg.scid  }
0x2: {  	s8 =	rddreg [dreg:$0x0];
	s0 =	stileid.u32  }
0x3: {  	s3 =	rddreg [dreg:$0x1];
	s2 =	simm.s32 $0x0;
	s6 =	sand.u32 $0x1, s1  }
0x4: {  	s4 =	sshll.u32 s0, $0xA;
	s1 =	rddreg [dreg:$0x2];
	s5 =	sshll.u32 s6, $0x9  }
0x5: {  	s7 =	simm.s32 $0x1;
	[smem:$0x7FF] =	sst s2;
	s9 =	sor.u32 s5, s4  }
0x6: {  	_ =	strace $0x8000004A;
	s10 =	ssub.s32 $0x2, s6;
	s4 =	sshrl.u32 s9, $0x3  }
0x7: {  	s6 =	simm.s32 $0x200;
	s4 =	sadd.s32 s3, s4;
	s3 =	simm.s32 $0x2  }
0x8: {  	[tilespmem:s2], [sflag:$0x2] =	stream.linear.gather [hbm4b:s4+s2], $0x200, $0x38;
	[tilespmem:$0x2200] =	vst v63  }
0x9: {  	s5 =	sadd.s32 $0xC4600, s8;
	s11 =	sshrl.u32 s10, $0x1;
	_ =	swait.ge [sflag:s3], $0x200  }
0xa: {  	s9 =	sshll.u32 s9, $0x1;
	s31 =	ssub.s32 s10, s11;
	[sflag:s3] =	ssyncset.done $0x0  }
0xb: {  	s8 =	sadd.s32 s9, s8;
	s9 =	smax.u32 s31, $0x1;
	[sflag:s3] =	ssyncadd.s32 $0xFFFFFE00  }
0xc: {  	[tilespmem:s6], [sflag:$0x1] =	stream.indirect.gather [hbm4b:s5+s6], $0x10, s2, s6, $0xb8;
	[tilespmem:$0x2200] =	vst v63  }
0xd: {  	p0 =	sne.s32 s9, $0x1;
	_ =	swait.ge [sflag:s7], $0x2000  }
.Ltmp0:
0xe: {  	[sflag:s7] =	ssyncset.done $0x0;
	(pc) =	sbr.rel @!p0 .LBB2_2-.Ltmp0, $4  }
0xf: {  	s8 =	sadd.s32 $0x1000, s8;
	[sflag:s7] =	ssyncadd.s32 $0xFFFFE000  }
0x10: {  	[hbm4b:s8+s2] =	stream.linear.scatter [tilespmem:s6], [sflag:$0x2], $0x2000, $0x38;
	[tilespmem:$0x2200] =	vst v63  }
0x11: {  	_ =	swait.ge [sflag:s3], $0x2000  }
0x12: {  	s9 =	sadd.s32 $0xFFFFFFFF, s9;
	[sflag:s3] =	ssyncset.done $0x0  }
.LBB2_1:
0x13: {  	p0 =	sne.s32 s9, $0x1;
	s9 =	sadd.s32 $0xFFFFFFFF, s9;
	[sflag:s3] =	ssyncadd.s32 $0xFFFFE000  }
0x14: {  	[tilespmem:s2], [sflag:$0x2] =	stream.linear.gather [hbm4b:s4+s2], $0x200, $0x38;
	[tilespmem:$0x2200] =	vst v63  }
0x15: {  	_ =	swait.ge [sflag:s3], $0x200  }
0x16: {  	[sflag:s3] =	ssyncset.done $0x0  }
0x17: {  	[sflag:s3] =	ssyncadd.s32 $0xFFFFFE00  }
0x18: {  	[tilespmem:s6], [sflag:$0x1] =	stream.indirect.gather [hbm4b:s5+s6], $0x10, s2, s6, $0xb8;
	[tilespmem:$0x2200] =	vst v63  }
0x19: {  	_ =	swait.ge [sflag:s7], $0x2000  }
.Ltmp1:
0x1a: {  	[sflag:s7] =	ssyncset.done $0x0;
	(pc) =	sbr.rel @p0 .LBB2_1-.Ltmp1, $4  }
0x1b: {  	[sflag:s7] =	ssyncadd.s32 $0xFFFFE000  }
0x1c: {  	[hbm4b:s8+s2] =	stream.linear.scatter [tilespmem:s6], [sflag:$0x2], $0x2000, $0x38;
	[tilespmem:$0x2200] =	vst v63  }
0x1d: {  	_ =	swait.ge [sflag:s3], $0x2000  }
0x1e: {  	[sflag:s3] =	ssyncset.done $0x0  }
.LBB2_2:
0x1f: {  	[sflag:s3] =	ssyncadd.s32 $0xFFFFE000  }
0x20: {  	_ =	sfence.sel $0x180000  }
0x21: {  	[bflag:$0x0] =	sbarrier.arrive $0xFFFF  }
0x22: {  	p0 =	sne.s32 s0, $0x0;
	_ =	strace $0x9000004A  }
0x23: {  	s0 =	sadd.s32 @!p0 $0x100000, s1;
	[bflag:$0x2] =	sbarrier.arrive $0xFFFF  }
0x24: {  	[sflag:s0] =	ssyncadd.tile.s32 @!p0 $0x1;
	_ =	shalt  }
.Lfunc_end2:
_tile_overlayer_lowered:
.L_overlay_start_2:
0x25: {  	(tag) =	ssettag $0x2  }
0x26: {  	s0 =	rddreg [dreg:$0x0];
	s2 =	stileid.u32  }
0x27: {  	s1 =	rddreg [dreg:$0x1];
	p0 =	sne.s32 s2, $0x0  }
0x28: {  	s3 =	rddreg [dreg:$0x2];
	[bflag:$0x3] =	sbarrier.arrive $0xFFFF;
	s2 =	simm.s32 @!p0 $0x1C02  }
0x29: {  	[timem:s3], [sflag:s2] =	dma.local @!p0 [hbm:s0], s1  }
0x2a: {  	s0 =	simm.s32 @!p0 $0x2  }
0x2b: {  	_ =	swait.ge @!p0 [sflag:s0], s1  }
0x2c: {  	s1 =	ssub.s32 @!p0 $0x0, s1;
	[sflag:s0] =	ssyncset.done @!p0 $0x0  }
0x2d: {  	[sflag:s0] =	ssyncadd.s32 @!p0 s1  }
0x2e: {  	[bflag:$0x3] =	sbarrier.arrive $0xFFFF  }
0x2f: {  	_ =	shalt  }

</sc_bundles>
